<compile_context>
chip_gen: v7x
topology: tpu7x:2x2x1
jax: 0.10.2.dev20260603
libtpu: 0.0.44.dev20260713+nightly
codegen_flags: <defaults>
</compile_context>

<pallas_src>
import functools

import jax
import jax.numpy as jnp
from jax import lax
from jax.experimental import pallas as pl
from jax.experimental.pallas import tpu as pltpu
from jax.experimental.pallas import tpu_sc as plsc

_R = 32
_B, _C, _N = 16, 64, 32768
_R3 = _R * _R * _R
_L = 16
_CH = 8192
_NCHUNK = _N // _CH
_CG = 8


def _norm_body(coords_ref, norm_ref, idx_ref):
    c = coords_ref[0]
    mean = jnp.mean(c, axis=1, keepdims=True)
    cc = c - mean
    nrm2 = jnp.sum(cc * cc, axis=0, keepdims=True)
    denom = jnp.sqrt(jnp.max(nrm2)) * 2.0
    nc = cc / denom + 0.5
    nc = jnp.clip(nc * float(_R), 0.0, float(_R - 1))
    norm_ref[0] = nc
    v = jnp.round(nc).astype(jnp.int32)
    idx_ref[...] = v[0] * (_R * _R) + v[1] * _R + v[2]


def _normalize(coords):
    return pl.pallas_call(
        _norm_body,
        grid=(_B,),
        in_specs=[pl.BlockSpec((1, 3, _N), lambda b: (b, 0, 0))],
        out_specs=[
            pl.BlockSpec((1, 3, _N), lambda b: (b, 0, 0)),
            pl.BlockSpec((_N,), lambda b: (b,)),
        ],
        out_shape=[
            jax.ShapeDtypeStruct((_B, 3, _N), jnp.float32),
            jax.ShapeDtypeStruct((_B * _N,), jnp.int32),
        ],
    )(coords)


def _detile_body(feat_ref, flat_ref):
    flat_ref[...] = feat_ref[0].reshape(-1)


def _detile(features):
    return pl.pallas_call(
        _detile_body,
        grid=(_B, _C // _CG),
        in_specs=[pl.BlockSpec((1, _CG, _N), lambda b, g: (b, g, 0))],
        out_specs=pl.BlockSpec((_CG * _N,), lambda b, g: (b * (_C // _CG) + g,)),
        out_shape=jax.ShapeDtypeStruct((_B * _C * _N,), jnp.float32),
    )(features)


def _scatter_body(feat_hbm, idx_hbm, out_hbm,
                  idx_v, invg_v, acc_v, feat0_v, feat1_v,
                  sem_a, sem_b, sem_out):
    b = lax.axis_index("s")
    h = lax.axis_index("c")

    pltpu.sync_copy(idx_hbm.at[pl.ds(pl.multiple_of(b * _N, _N), _N)], idx_v)

    ones = jnp.full((_L,), 1.0, jnp.float32)
    zeros = jnp.zeros((_L,), jnp.float32)
    feats = (feat0_v, feat1_v)
    feat_sems = (sem_a, sem_b)

    def zero_acc():
        @plsc.parallel_loop(0, _R3, _L, unroll=8)
        def _(i):
            acc_v[pl.ds(i, _L)] = zeros

    zero_acc()

    @plsc.parallel_loop(0, _N, _L, unroll=8)
    def _(i):
        vi = idx_v[pl.ds(i, _L)]
        plsc.addupdate_scatter(acc_v, [vi], ones)

    @plsc.parallel_loop(0, _N, _L, unroll=8)
    def _(i):
        vi = idx_v[pl.ds(i, _L)]
        cnt = plsc.load_gather(acc_v, [vi])
        invg_v[pl.ds(i, _L)] = 1.0 / jnp.maximum(cnt, 1.0)

    def ch_body(ch, _):
        c_abs = h * (_C // 2) + ch
        row = pl.multiple_of((b * _C + c_abs) * _N, _N)

        @pl.when(ch > 0)
        def _():
            pltpu.make_async_copy(
                acc_v, out_hbm.at[pl.ds(row, _N)], sem_out
            ).wait()

        zero_acc()

        pltpu.async_copy(
            feat_hbm.at[pl.ds(row, _CH)], feats[0], feat_sems[0]
        )
        for k in range(_NCHUNK):
            fp = k % 2
            if k + 1 < _NCHUNK:
                off = pl.multiple_of(row + (k + 1) * _CH, _CH)
                pltpu.async_copy(
                    feat_hbm.at[pl.ds(off, _CH)],
                    feats[(k + 1) % 2],
                    feat_sems[(k + 1) % 2],
                )
            pltpu.make_async_copy(
                feat_hbm.at[pl.ds(row, _CH)], feats[fp], feat_sems[fp]
            ).wait()
            base = k * _CH

            @plsc.parallel_loop(0, _CH, _L, unroll=8)
            def _(i):
                v = feats[fp][pl.ds(i, _L)]
                vi = idx_v[pl.ds(base + i, _L)]
                g = invg_v[pl.ds(base + i, _L)]
                plsc.addupdate_scatter(acc_v, [vi], v * g)

        pltpu.async_copy(acc_v, out_hbm.at[pl.ds(row, _N)], sem_out)
        return 0

    lax.fori_loop(0, _C // 2, ch_body, 0)

    last_row = pl.multiple_of((b * _C + h * (_C // 2) + _C // 2 - 1) * _N, _N)
    pltpu.make_async_copy(acc_v, out_hbm.at[pl.ds(last_row, _N)], sem_out).wait()


@functools.cache
def _scatter_call():
    return pl.kernel(
        _scatter_body,
        out_type=jax.ShapeDtypeStruct((_B * _C * _R3,), jnp.float32),
        mesh=plsc.VectorSubcoreMesh(
            core_axis_name="c", subcore_axis_name="s", num_cores=2, num_subcores=16
        ),
        compiler_params=pltpu.CompilerParams(needs_layout_passes=False),
        scratch_types=[
            pltpu.VMEM((_N,), jnp.int32),
            pltpu.VMEM((_N,), jnp.float32),
            pltpu.VMEM((_R3,), jnp.float32),
            pltpu.VMEM((_CH,), jnp.float32),
            pltpu.VMEM((_CH,), jnp.float32),
            pltpu.SemaphoreType.DMA,
            pltpu.SemaphoreType.DMA,
            pltpu.SemaphoreType.DMA,
        ],
    )


def kernel(features, coords):
    norm, idx_flat = _normalize(coords)
    feat_flat = _detile(features)
    vox_flat = _scatter_call()(feat_flat, idx_flat)
    voxels = vox_flat.reshape(_B, _C, _R, _R, _R)
    return voxels, norm

# --- scband reference (transcript-rebuilt; emitter-appended) ---
"""Pipeline reference for scband-voxelization-70153995813272 (READ-ONLY COPY).

The authoritative reference and input builder live on the scoring server;
editing this copy changes nothing except your own understanding.
"""

import jax, jax.numpy as jnp
import numpy as np

R = 32
B, C, N = 16, 64, 32768


def setup_inputs(seed: int = 0) -> dict:
    key = jax.random.key(seed)
    k1, k2 = jax.random.split(key)
    features = jax.random.normal(k1, (B, C, N), dtype=jnp.float32)
    coords = jax.random.normal(k2, (B, 3, N), dtype=jnp.float32)
    return {"features": features, "coords": coords}


def _avg_voxelize(features, vox_coords, r):
    b, c, n = features.shape
    r3 = r * r * r
    cc = jnp.clip(vox_coords.astype(jnp.int32), 0, r - 1)
    flat_idx = cc[:, 0] * (r * r) + cc[:, 1] * r + cc[:, 2]  # [B, N]

    def one(feat, idx):
        # feat: [C, N], idx: [N]
        vox = jax.ops.segment_sum(feat.T, idx, num_segments=r3).T  # [C, R^3]
        cnt = jax.ops.segment_sum(jnp.ones((n,), dtype=feat.dtype), idx, num_segments=r3)  # [R^3]
        return vox, cnt

    voxels, counts = jax.vmap(one)(features, flat_idx)
    counts = jnp.maximum(counts, 1.0)[:, None, :]
    voxels = voxels / counts
    return voxels.reshape(b, c, r, r, r)


def reference(features, coords):
    resolution = R
    normalize = True
    eps = 0.0
    coords = jax.lax.stop_gradient(coords)  # torch: coords.detach()
    norm_coords = coords - jnp.mean(coords, axis=2, keepdims=True)
    if normalize:
        nrm = jnp.linalg.norm(norm_coords, axis=1, keepdims=True)  # [B,1,N]
        denom = jnp.max(nrm, axis=2, keepdims=True) * 2.0 + eps  # [B,1,1]
        norm_coords = norm_coords / denom + 0.5
    else:
        norm_coords = (norm_coords + 1.0) / 2.0
    norm_coords = jnp.clip(norm_coords * resolution, 0.0, resolution - 1)
    vox_coords = jnp.round(norm_coords).astype(jnp.int32)
    voxels = _avg_voxelize(features, vox_coords, resolution)
    return voxels, norm_coords

if __name__ == "__main__":
    import jax
    _d = setup_inputs()
    print(jax.jit(kernel)(*tuple(_d.values())))

</pallas_src>

<mosaic_0001>
#map = affine_map<(d0, d1) -> (0)>
module attributes {stable_mosaic.version = 14 : i64} {
  func.func @_scatter_body(%arg0: i32, %arg1: i32, %arg2: memref<33554432xf32, #tpu.memory_space<hbm>>, %arg3: memref<524288xi32, #tpu.memory_space<hbm>>, %arg4: memref<33554432xf32, #tpu.memory_space<hbm>>, %arg5: memref<32768xi32, #tpu.memory_space<vmem>>, %arg6: memref<32768xf32, #tpu.memory_space<vmem>>, %arg7: memref<32768xf32, #tpu.memory_space<vmem>>, %arg8: memref<8192xf32, #tpu.memory_space<vmem>>, %arg9: memref<8192xf32, #tpu.memory_space<vmem>>, %arg10: memref<!tpu.dma_semaphore, #tpu.memory_space<semaphore_mem>>, %arg11: memref<!tpu.dma_semaphore, #tpu.memory_space<semaphore_mem>>, %arg12: memref<!tpu.dma_semaphore, #tpu.memory_space<semaphore_mem>>) attributes {dimension_semantics = [#tpu.dimension_semantics<core_parallel>, #tpu.dimension_semantics<subcore_parallel>], iteration_bounds = array<i64: 2, 16>, scalar_prefetch = 0 : i64, scratch_operands = 8 : i64, tpu.core_type = #tpu.core_type<sc_vector_subcore>, window_params = [{transform_indices = #map}, {transform_indices = #map}, {transform_indices = #map}]} {
    %mul3A = arith.constant 32768 : i32
    %mul3A_0 = arith.muli %arg1, %mul3A : i32
    %multiple_of3A = tpu.assume_multiple %mul3A_0, 32768 : i32
    "tpu.region"() ({
      %run_scoped3A = tpu.sem_alloc : memref<!tpu.dma_semaphore, #tpu.memory_space<semaphore_mem>>
      %dma_start3A = tpu.memref_slice %arg3[%multiple_of3A] : memref<524288xi32, #tpu.memory_space<hbm>> -> memref<32768xi32, #tpu.memory_space<hbm>>
      %dma_start3A_29 = tpu.memref_slice %arg3[%multiple_of3A] : memref<524288xi32, #tpu.memory_space<hbm>> -> memref<32768xi32, #tpu.memory_space<hbm>>
      tpu.enqueue_dma source(%dma_start3A_29 : memref<32768xi32, #tpu.memory_space<hbm>>) target(%arg5 : memref<32768xi32, #tpu.memory_space<vmem>>) target_semaphore(%run_scoped3A : memref<!tpu.dma_semaphore, #tpu.memory_space<semaphore_mem>>)
      %dma_wait3A_30 = tpu.memref_slice %arg3[%multiple_of3A] : memref<524288xi32, #tpu.memory_space<hbm>> -> memref<32768xi32, #tpu.memory_space<hbm>>
      %dma_wait3A_31 = tpu.memref_slice %arg3[%multiple_of3A] : memref<524288xi32, #tpu.memory_space<hbm>> -> memref<32768xi32, #tpu.memory_space<hbm>>
      tpu.wait_dma2 semaphore(%run_scoped3A : memref<!tpu.dma_semaphore, #tpu.memory_space<semaphore_mem>>) src(%dma_wait3A_31 : memref<32768xi32, #tpu.memory_space<hbm>>) dst(%arg5 : memref<32768xi32, #tpu.memory_space<vmem>>)
      tpu.yield
    }) : () -> ()
    %broadcast_in_dim3A = arith.constant 1.000000e+00 : f32
    %broadcast_in_dim3A_1 = vector.broadcast %broadcast_in_dim3A : f32 to vector<16xf32>
    %broadcast_in_dim3A_2 = arith.constant 0.000000e+00 : f32
    %broadcast_in_dim3A_3 = vector.broadcast %broadcast_in_dim3A_2 : f32 to vector<16xf32>
    %parallel_loop3A = arith.constant 0 : i32
    %parallel_loop3A_4 = arith.constant 32768 : i32
    %parallel_loop3A_5 = arith.constant 16 : i32
    scf.for %parallel_loop3A_29 = %parallel_loop3A to %parallel_loop3A_4 step %parallel_loop3A_5  : i32 {
      %parallel_loop3A_30 = arith.index_cast %parallel_loop3A_29 : i32 to index
      %parallel_loop3A_31 = tpu.vector_load %arg7[%parallel_loop3A_30] {strides = array<i32>} : memref<32768xf32, #tpu.memory_space<vmem>>, vector<16xf32>,
      tpu.vector_store %arg7[%parallel_loop3A_30], %broadcast_in_dim3A_3 {strides = array<i32>} : memref<32768xf32, #tpu.memory_space<vmem>>, vector<16xf32>,
    } {sc.loop_unroll_factor = 8 : i64, sc.parallel_access}
    %parallel_loop3A_6 = arith.constant 0 : i32
    %parallel_loop3A_7 = arith.constant 32768 : i32
    %parallel_loop3A_8 = arith.constant 16 : i32
    scf.for %parallel_loop3A_29 = %parallel_loop3A_6 to %parallel_loop3A_7 step %parallel_loop3A_8  : i32 {
      %parallel_loop3A_30 = arith.index_cast %parallel_loop3A_29 : i32 to index
      %parallel_loop3A_31 = tpu.vector_load %arg5[%parallel_loop3A_30] {strides = array<i32>} : memref<32768xi32, #tpu.memory_space<vmem>>, vector<16xi32>,
      tpu.vector_store_idx %arg7[%parallel_loop3A_31], %broadcast_in_dim3A_1 {add = true} : memref<32768xf32, #tpu.memory_space<vmem>>[vector<16xi32>], vector<16xf32>,
    } {sc.loop_unroll_factor = 8 : i64, sc.parallel_access}
    %parallel_loop3A_9 = arith.constant 0 : i32
    %parallel_loop3A_10 = arith.constant 32768 : i32
    %parallel_loop3A_11 = arith.constant 16 : i32
    scf.for %parallel_loop3A_29 = %parallel_loop3A_9 to %parallel_loop3A_10 step %parallel_loop3A_11  : i32 {
      %parallel_loop3A_30 = arith.index_cast %parallel_loop3A_29 : i32 to index
      %parallel_loop3A_31 = tpu.vector_load %arg5[%parallel_loop3A_30] {strides = array<i32>} : memref<32768xi32, #tpu.memory_space<vmem>>, vector<16xi32>,
      %parallel_loop3A_32 = tpu.vector_load_idx %arg7[%parallel_loop3A_31] : memref<32768xf32, #tpu.memory_space<vmem>>[vector<16xi32>], vector<16xf32>,
      %parallel_loop3A_33 = arith.constant 1.000000e+00 : f32
      %parallel_loop3A_34 = vector.broadcast %parallel_loop3A_33 : f32 to vector<16xf32>
      %parallel_loop3A_35 = arith.maximumf %parallel_loop3A_32, %parallel_loop3A_34 : vector<16xf32>
      %parallel_loop3A_36 = arith.constant 1.000000e+00 : f32
      %parallel_loop3A_37 = vector.broadcast %parallel_loop3A_36 : f32 to vector<16xf32>
      %parallel_loop3A_38 = arith.divf %parallel_loop3A_37, %parallel_loop3A_35 : vector<16xf32>
      %parallel_loop3A_39 = arith.index_cast %parallel_loop3A_29 : i32 to index
      %parallel_loop3A_40 = tpu.vector_load %arg6[%parallel_loop3A_39] {strides = array<i32>} : memref<32768xf32, #tpu.memory_space<vmem>>, vector<16xf32>,
      tpu.vector_store %arg6[%parallel_loop3A_39], %parallel_loop3A_38 {strides = array<i32>} : memref<32768xf32, #tpu.memory_space<vmem>>, vector<16xf32>,
    } {sc.loop_unroll_factor = 8 : i64, sc.parallel_access}
    %scan3A = arith.constant 0 : i32
    %scan3A_12 = arith.constant 0 : i32
    %scan3A_13 = arith.constant 32 : i32
    %scan3A_14 = arith.addi %scan3A_12, %scan3A_13 : i32
    %scan3A_15 = arith.constant 1 : i32
    %scan3A_16 = scf.for %scan3A_29 = %scan3A_12 to %scan3A_14 step %scan3A_15 iter_args(%scan3A_30 = %scan3A) -> (i32)  : i32 {
      %mul3A_31 = arith.constant 32 : i32
      %mul3A_32 = arith.muli %arg0, %mul3A_31 : i32
      %add3A_33 = arith.addi %mul3A_32, %scan3A_29 : i32
      %mul3A_34 = arith.constant 64 : i32
      %mul3A_35 = arith.muli %arg1, %mul3A_34 : i32
      %add3A_36 = arith.addi %mul3A_35, %add3A_33 : i32
      %mul3A_37 = arith.constant 32768 : i32
      %mul3A_38 = arith.muli %add3A_36, %mul3A_37 : i32
      %multiple_of3A_39 = tpu.assume_multiple %mul3A_38, 32768 : i32
      %gt3A = arith.constant 0 : i32
      %gt3A_40 = arith.cmpi sgt, %scan3A_29, %gt3A : i32
      %convert_element_type3A = arith.extui %gt3A_40 : i1 to i32
      %cond3A = arith.constant 0 : i32
      %cond3A_41 = arith.cmpi ne, %convert_element_type3A, %cond3A : i32
      scf.if %cond3A_41 {
        %dma_wait3A_84 = tpu.memref_slice %arg4[%multiple_of3A_39] : memref<33554432xf32, #tpu.memory_space<hbm>> -> memref<32768xf32, #tpu.memory_space<hbm>>
        %dma_wait3A_85 = tpu.memref_slice %arg4[%multiple_of3A_39] : memref<33554432xf32, #tpu.memory_space<hbm>> -> memref<32768xf32, #tpu.memory_space<hbm>>
        tpu.wait_dma2 semaphore(%arg12 : memref<!tpu.dma_semaphore, #tpu.memory_space<semaphore_mem>>) src(%arg7 : memref<32768xf32, #tpu.memory_space<vmem>>) dst(%dma_wait3A_85 : memref<32768xf32, #tpu.memory_space<hbm>>)
      } else {
      }
      %parallel_loop3A_42 = arith.constant 0 : i32
      %parallel_loop3A_43 = arith.constant 32768 : i32
      %parallel_loop3A_44 = arith.constant 16 : i32
      scf.for %parallel_loop3A_84 = %parallel_loop3A_42 to %parallel_loop3A_43 step %parallel_loop3A_44  : i32 {
        %parallel_loop3A_85 = arith.index_cast %parallel_loop3A_84 : i32 to index
        %parallel_loop3A_86 = tpu.vector_load %arg7[%parallel_loop3A_85] {strides = array<i32>} : memref<32768xf32, #tpu.memory_space<vmem>>, vector<16xf32>,
        tpu.vector_store %arg7[%parallel_loop3A_85], %broadcast_in_dim3A_3 {strides = array<i32>} : memref<32768xf32, #tpu.memory_space<vmem>>, vector<16xf32>,
      } {sc.loop_unroll_factor = 8 : i64, sc.parallel_access}
      %dma_start3A = tpu.memref_slice %arg2[%multiple_of3A_39] : memref<33554432xf32, #tpu.memory_space<hbm>> -> memref<8192xf32, #tpu.memory_space<hbm>>
      %dma_start3A_45 = tpu.memref_slice %arg2[%multiple_of3A_39] : memref<33554432xf32, #tpu.memory_space<hbm>> -> memref<8192xf32, #tpu.memory_space<hbm>>
      tpu.enqueue_dma source(%dma_start3A_45 : memref<8192xf32, #tpu.memory_space<hbm>>) target(%arg8 : memref<8192xf32, #tpu.memory_space<vmem>>) target_semaphore(%arg10 : memref<!tpu.dma_semaphore, #tpu.memory_space<semaphore_mem>>)
      %add3A_46 = arith.constant 8192 : i32
      %add3A_47 = arith.addi %multiple_of3A_39, %add3A_46 : i32
      %multiple_of3A_48 = tpu.assume_multiple %add3A_47, 8192 : i32
      %dma_start3A_49 = tpu.memref_slice %arg2[%multiple_of3A_48] : memref<33554432xf32, #tpu.memory_space<hbm>> -> memref<8192xf32, #tpu.memory_space<hbm>>
      %dma_start3A_50 = tpu.memref_slice %arg2[%multiple_of3A_48] : memref<33554432xf32, #tpu.memory_space<hbm>> -> memref<8192xf32, #tpu.memory_space<hbm>>
      tpu.enqueue_dma source(%dma_start3A_50 : memref<8192xf32, #tpu.memory_space<hbm>>) target(%arg9 : memref<8192xf32, #tpu.memory_space<vmem>>) target_semaphore(%arg11 : memref<!tpu.dma_semaphore, #tpu.memory_space<semaphore_mem>>)
      %dma_wait3A_51 = tpu.memref_slice %arg2[%multiple_of3A_39] : memref<33554432xf32, #tpu.memory_space<hbm>> -> memref<8192xf32, #tpu.memory_space<hbm>>
      %dma_wait3A_52 = tpu.memref_slice %arg2[%multiple_of3A_39] : memref<33554432xf32, #tpu.memory_space<hbm>> -> memref<8192xf32, #tpu.memory_space<hbm>>
      tpu.wait_dma2 semaphore(%arg10 : memref<!tpu.dma_semaphore, #tpu.memory_space<semaphore_mem>>) src(%dma_wait3A_52 : memref<8192xf32, #tpu.memory_space<hbm>>) dst(%arg8 : memref<8192xf32, #tpu.memory_space<vmem>>)
      %parallel_loop3A_53 = arith.constant 0 : i32
      %parallel_loop3A_54 = arith.constant 8192 : i32
      %parallel_loop3A_55 = arith.constant 16 : i32
      scf.for %parallel_loop3A_84 = %parallel_loop3A_53 to %parallel_loop3A_54 step %parallel_loop3A_55  : i32 {
        %parallel_loop3A_85 = arith.index_cast %parallel_loop3A_84 : i32 to index
        %parallel_loop3A_86 = tpu.vector_load %arg8[%parallel_loop3A_85] {strides = array<i32>} : memref<8192xf32, #tpu.memory_space<vmem>>, vector<16xf32>,
        %parallel_loop3A_87 = arith.constant 0 : i32
        %parallel_loop3A_88 = arith.addi %parallel_loop3A_87, %parallel_loop3A_84 : i32
        %parallel_loop3A_89 = arith.index_cast %parallel_loop3A_88 : i32 to index
        %parallel_loop3A_90 = tpu.vector_load %arg5[%parallel_loop3A_89] {strides = array<i32>} : memref<32768xi32, #tpu.memory_space<vmem>>, vector<16xi32>,
        %parallel_loop3A_91 = arith.constant 0 : i32
        %parallel_loop3A_92 = arith.addi %parallel_loop3A_91, %parallel_loop3A_84 : i32
        %parallel_loop3A_93 = arith.index_cast %parallel_loop3A_92 : i32 to index
        %parallel_loop3A_94 = tpu.vector_load %arg6[%parallel_loop3A_93] {strides = array<i32>} : memref<32768xf32, #tpu.memory_space<vmem>>, vector<16xf32>,
        %parallel_loop3A_95 = arith.mulf %parallel_loop3A_86, %parallel_loop3A_94 : vector<16xf32>
        tpu.vector_store_idx %arg7[%parallel_loop3A_90], %parallel_loop3A_95 {add = true} : memref<32768xf32, #tpu.memory_space<vmem>>[vector<16xi32>], vector<16xf32>,
      } {sc.loop_unroll_factor = 8 : i64, sc.parallel_access}
      %add3A_56 = arith.constant 16384 : i32
      %add3A_57 = arith.addi %multiple_of3A_39, %add3A_56 : i32
      %multiple_of3A_58 = tpu.assume_multiple %add3A_57, 8192 : i32
      %dma_start3A_59 = tpu.memref_slice %arg2[%multiple_of3A_58] : memref<33554432xf32, #tpu.memory_space<hbm>> -> memref<8192xf32, #tpu.memory_space<hbm>>
      %dma_start3A_60 = tpu.memref_slice %arg2[%multiple_of3A_58] : memref<33554432xf32, #tpu.memory_space<hbm>> -> memref<8192xf32, #tpu.memory_space<hbm>>
      tpu.enqueue_dma source(%dma_start3A_60 : memref<8192xf32, #tpu.memory_space<hbm>>) target(%arg8 : memref<8192xf32, #tpu.memory_space<vmem>>) target_semaphore(%arg10 : memref<!tpu.dma_semaphore, #tpu.memory_space<semaphore_mem>>)
      %dma_wait3A_61 = tpu.memref_slice %arg2[%multiple_of3A_39] : memref<33554432xf32, #tpu.memory_space<hbm>> -> memref<8192xf32, #tpu.memory_space<hbm>>
      %dma_wait3A_62 = tpu.memref_slice %arg2[%multiple_of3A_39] : memref<33554432xf32, #tpu.memory_space<hbm>> -> memref<8192xf32, #tpu.memory_space<hbm>>
      tpu.wait_dma2 semaphore(%arg11 : memref<!tpu.dma_semaphore, #tpu.memory_space<semaphore_mem>>) src(%dma_wait3A_62 : memref<8192xf32, #tpu.memory_space<hbm>>) dst(%arg9 : memref<8192xf32, #tpu.memory_space<vmem>>)
      %parallel_loop3A_63 = arith.constant 0 : i32
      %parallel_loop3A_64 = arith.constant 8192 : i32
      %parallel_loop3A_65 = arith.constant 16 : i32
      scf.for %parallel_loop3A_84 = %parallel_loop3A_63 to %parallel_loop3A_64 step %parallel_loop3A_65  : i32 {
        %parallel_loop3A_85 = arith.index_cast %parallel_loop3A_84 : i32 to index
        %parallel_loop3A_86 = tpu.vector_load %arg9[%parallel_loop3A_85] {strides = array<i32>} : memref<8192xf32, #tpu.memory_space<vmem>>, vector<16xf32>,
        %parallel_loop3A_87 = arith.constant 8192 : i32
        %parallel_loop3A_88 = arith.addi %parallel_loop3A_87, %parallel_loop3A_84 : i32
        %parallel_loop3A_89 = arith.index_cast %parallel_loop3A_88 : i32 to index
        %parallel_loop3A_90 = tpu.vector_load %arg5[%parallel_loop3A_89] {strides = array<i32>} : memref<32768xi32, #tpu.memory_space<vmem>>, vector<16xi32>,
        %parallel_loop3A_91 = arith.constant 8192 : i32
        %parallel_loop3A_92 = arith.addi %parallel_loop3A_91, %parallel_loop3A_84 : i32
        %parallel_loop3A_93 = arith.index_cast %parallel_loop3A_92 : i32 to index
        %parallel_loop3A_94 = tpu.vector_load %arg6[%parallel_loop3A_93] {strides = array<i32>} : memref<32768xf32, #tpu.memory_space<vmem>>, vector<16xf32>,
        %parallel_loop3A_95 = arith.mulf %parallel_loop3A_86, %parallel_loop3A_94 : vector<16xf32>
        tpu.vector_store_idx %arg7[%parallel_loop3A_90], %parallel_loop3A_95 {add = true} : memref<32768xf32, #tpu.memory_space<vmem>>[vector<16xi32>], vector<16xf32>,
      } {sc.loop_unroll_factor = 8 : i64, sc.parallel_access}
      %add3A_66 = arith.constant 24576 : i32
      %add3A_67 = arith.addi %multiple_of3A_39, %add3A_66 : i32
      %multiple_of3A_68 = tpu.assume_multiple %add3A_67, 8192 : i32
      %dma_start3A_69 = tpu.memref_slice %arg2[%multiple_of3A_68] : memref<33554432xf32, #tpu.memory_space<hbm>> -> memref<8192xf32, #tpu.memory_space<hbm>>
      %dma_start3A_70 = tpu.memref_slice %arg2[%multiple_of3A_68] : memref<33554432xf32, #tpu.memory_space<hbm>> -> memref<8192xf32, #tpu.memory_space<hbm>>
      tpu.enqueue_dma source(%dma_start3A_70 : memref<8192xf32, #tpu.memory_space<hbm>>) target(%arg9 : memref<8192xf32, #tpu.memory_space<vmem>>) target_semaphore(%arg11 : memref<!tpu.dma_semaphore, #tpu.memory_space<semaphore_mem>>)
      %dma_wait3A_71 = tpu.memref_slice %arg2[%multiple_of3A_39] : memref<33554432xf32, #tpu.memory_space<hbm>> -> memref<8192xf32, #tpu.memory_space<hbm>>
      %dma_wait3A_72 = tpu.memref_slice %arg2[%multiple_of3A_39] : memref<33554432xf32, #tpu.memory_space<hbm>> -> memref<8192xf32, #tpu.memory_space<hbm>>
      tpu.wait_dma2 semaphore(%arg10 : memref<!tpu.dma_semaphore, #tpu.memory_space<semaphore_mem>>) src(%dma_wait3A_72 : memref<8192xf32, #tpu.memory_space<hbm>>) dst(%arg8 : memref<8192xf32, #tpu.memory_space<vmem>>)
      %parallel_loop3A_73 = arith.constant 0 : i32
      %parallel_loop3A_74 = arith.constant 8192 : i32
      %parallel_loop3A_75 = arith.constant 16 : i32
      scf.for %parallel_loop3A_84 = %parallel_loop3A_73 to %parallel_loop3A_74 step %parallel_loop3A_75  : i32 {
        %parallel_loop3A_85 = arith.index_cast %parallel_loop3A_84 : i32 to index
        %parallel_loop3A_86 = tpu.vector_load %arg8[%parallel_loop3A_85] {strides = array<i32>} : memref<8192xf32, #tpu.memory_space<vmem>>, vector<16xf32>,
        %parallel_loop3A_87 = arith.constant 16384 : i32
        %parallel_loop3A_88 = arith.addi %parallel_loop3A_87, %parallel_loop3A_84 : i32
        %parallel_loop3A_89 = arith.index_cast %parallel_loop3A_88 : i32 to index
        %parallel_loop3A_90 = tpu.vector_load %arg5[%parallel_loop3A_89] {strides = array<i32>} : memref<32768xi32, #tpu.memory_space<vmem>>, vector<16xi32>,
        %parallel_loop3A_91 = arith.constant 16384 : i32
        %parallel_loop3A_92 = arith.addi %parallel_loop3A_91, %parallel_loop3A_84 : i32
        %parallel_loop3A_93 = arith.index_cast %parallel_loop3A_92 : i32 to index
        %parallel_loop3A_94 = tpu.vector_load %arg6[%parallel_loop3A_93] {strides = array<i32>} : memref<32768xf32, #tpu.memory_space<vmem>>, vector<16xf32>,
        %parallel_loop3A_95 = arith.mulf %parallel_loop3A_86, %parallel_loop3A_94 : vector<16xf32>
        tpu.vector_store_idx %arg7[%parallel_loop3A_90], %parallel_loop3A_95 {add = true} : memref<32768xf32, #tpu.memory_space<vmem>>[vector<16xi32>], vector<16xf32>,
      } {sc.loop_unroll_factor = 8 : i64, sc.parallel_access}
      %dma_wait3A_76 = tpu.memref_slice %arg2[%multiple_of3A_39] : memref<33554432xf32, #tpu.memory_space<hbm>> -> memref<8192xf32, #tpu.memory_space<hbm>>
      %dma_wait3A_77 = tpu.memref_slice %arg2[%multiple_of3A_39] : memref<33554432xf32, #tpu.memory_space<hbm>> -> memref<8192xf32, #tpu.memory_space<hbm>>
      tpu.wait_dma2 semaphore(%arg11 : memref<!tpu.dma_semaphore, #tpu.memory_space<semaphore_mem>>) src(%dma_wait3A_77 : memref<8192xf32, #tpu.memory_space<hbm>>) dst(%arg9 : memref<8192xf32, #tpu.memory_space<vmem>>)
      %parallel_loop3A_78 = arith.constant 0 : i32
      %parallel_loop3A_79 = arith.constant 8192 : i32
      %parallel_loop3A_80 = arith.constant 16 : i32
      scf.for %parallel_loop3A_84 = %parallel_loop3A_78 to %parallel_loop3A_79 step %parallel_loop3A_80  : i32 {
        %parallel_loop3A_85 = arith.index_cast %parallel_loop3A_84 : i32 to index
        %parallel_loop3A_86 = tpu.vector_load %arg9[%parallel_loop3A_85] {strides = array<i32>} : memref<8192xf32, #tpu.memory_space<vmem>>, vector<16xf32>,
        %parallel_loop3A_87 = arith.constant 24576 : i32
        %parallel_loop3A_88 = arith.addi %parallel_loop3A_87, %parallel_loop3A_84 : i32
        %parallel_loop3A_89 = arith.index_cast %parallel_loop3A_88 : i32 to index
        %parallel_loop3A_90 = tpu.vector_load %arg5[%parallel_loop3A_89] {strides = array<i32>} : memref<32768xi32, #tpu.memory_space<vmem>>, vector<16xi32>,
        %parallel_loop3A_91 = arith.constant 24576 : i32
        %parallel_loop3A_92 = arith.addi %parallel_loop3A_91, %parallel_loop3A_84 : i32
        %parallel_loop3A_93 = arith.index_cast %parallel_loop3A_92 : i32 to index
        %parallel_loop3A_94 = tpu.vector_load %arg6[%parallel_loop3A_93] {strides = array<i32>} : memref<32768xf32, #tpu.memory_space<vmem>>, vector<16xf32>,
        %parallel_loop3A_95 = arith.mulf %parallel_loop3A_86, %parallel_loop3A_94 : vector<16xf32>
        tpu.vector_store_idx %arg7[%parallel_loop3A_90], %parallel_loop3A_95 {add = true} : memref<32768xf32, #tpu.memory_space<vmem>>[vector<16xi32>], vector<16xf32>,
      } {sc.loop_unroll_factor = 8 : i64, sc.parallel_access}
      %dma_start3A_81 = tpu.memref_slice %arg4[%multiple_of3A_39] : memref<33554432xf32, #tpu.memory_space<hbm>> -> memref<32768xf32, #tpu.memory_space<hbm>>
      %dma_start3A_82 = tpu.memref_slice %arg4[%multiple_of3A_39] : memref<33554432xf32, #tpu.memory_space<hbm>> -> memref<32768xf32, #tpu.memory_space<hbm>>
      tpu.enqueue_dma source(%arg7 : memref<32768xf32, #tpu.memory_space<vmem>>) target(%dma_start3A_82 : memref<32768xf32, #tpu.memory_space<hbm>>) target_semaphore(%arg12 : memref<!tpu.dma_semaphore, #tpu.memory_space<semaphore_mem>>)
      %scan3A_83 = arith.constant 0 : i32
      scf.yield %scan3A_83 : i32
    }
    %scan3A_17 = arith.constant 32 : i32
    %mul3A_18 = arith.constant 64 : i32
    %mul3A_19 = arith.muli %arg1, %mul3A_18 : i32
    %mul3A_20 = arith.constant 32 : i32
    %mul3A_21 = arith.muli %arg0, %mul3A_20 : i32
    %add3A = arith.addi %mul3A_19, %mul3A_21 : i32
    %add3A_22 = arith.constant 32 : i32
    %add3A_23 = arith.addi %add3A, %add3A_22 : i32
    %sub3A = arith.constant 1 : i32
    %sub3A_24 = arith.subi %add3A_23, %sub3A : i32
    %mul3A_25 = arith.constant 32768 : i32
    %mul3A_26 = arith.muli %sub3A_24, %mul3A_25 : i32
    %multiple_of3A_27 = tpu.assume_multiple %mul3A_26, 32768 : i32
    %dma_wait3A = tpu.memref_slice %arg4[%multiple_of3A_27] : memref<33554432xf32, #tpu.memory_space<hbm>> -> memref<32768xf32, #tpu.memory_space<hbm>>
    %dma_wait3A_28 = tpu.memref_slice %arg4[%multiple_of3A_27] : memref<33554432xf32, #tpu.memory_space<hbm>> -> memref<32768xf32, #tpu.memory_space<hbm>>
    tpu.wait_dma2 semaphore(%arg12 : memref<!tpu.dma_semaphore, #tpu.memory_space<semaphore_mem>>) src(%arg7 : memref<32768xf32, #tpu.memory_space<vmem>>) dst(%dma_wait3A_28 : memref<32768xf32, #tpu.memory_space<hbm>>)
    return
  }
}

module attributes {stable_mosaic.version = 14 : i64} {
  func.func @_norm_body(%arg0: i32, %arg1: memref<1x3x32768xf32, #tpu.memory_space<vmem>>, %arg2: memref<1x3x32768xf32, #tpu.memory_space<vmem>>, %arg3: memref<32768xi32, #tpu.memory_space<vmem>>) attributes {dimension_semantics = [#tpu.dimension_semantics<arbitrary>], iteration_bounds = array<i64: 16>, scalar_prefetch = 0 : i64, scratch_operands = 0 : i64, tpu.core_type = #tpu.core_type<tc>, window_params = [{transform_indices = @transform_0, window_bounds = array<i64: 1, 3, 32768>}, {transform_indices = @transform_1, window_bounds = array<i64: 1, 3, 32768>}, {transform_indices = @transform_2, window_bounds = array<i64: 32768>}]} {
    %get3A = arith.constant 0 : index
    %get3A_0 = arith.constant 0 : index
    %get3A_1 = arith.constant 0 : index
    %get3A_2 = vector.load %arg1[%get3A, %get3A_0, %get3A_1] : memref<1x3x32768xf32, #tpu.memory_space<vmem>>, vector<1x3x32768xf32>
    %get3A_3 = vector.shape_cast %get3A_2 : vector<1x3x32768xf32> to vector<3x32768xf32>
    %reduce_sum3A = arith.constant dense<0.000000e+00> : vector<3xf32>
    %reduce_sum3A_4 = vector.multi_reduction <add>, %get3A_3, %reduce_sum3A [1] : vector<3x32768xf32> to vector<3xf32>
    %broadcast_in_dim3A = vector.shape_cast %reduce_sum3A_4 : vector<3xf32> to vector<3x1xf32>
    %div3A = arith.constant 3.276800e+04 : f32
    %div3A_5 = vector.broadcast %div3A : f32 to vector<3x1xf32>
    %div3A_6 = arith.divf %broadcast_in_dim3A, %div3A_5 : vector<3x1xf32>
    %sub3A = vector.broadcast %div3A_6 : vector<3x1xf32> to vector<3x32768xf32>
    %sub3A_7 = arith.subf %get3A_3, %sub3A : vector<3x32768xf32>
    %mul3A = arith.mulf %sub3A_7, %sub3A_7 : vector<3x32768xf32>
    %reduce_sum3A_8 = arith.constant dense<0.000000e+00> : vector<32768xf32>
    %reduce_sum3A_9 = vector.multi_reduction <add>, %mul3A, %reduce_sum3A_8 [0] : vector<3x32768xf32> to vector<32768xf32>
    %broadcast_in_dim3A_10 = vector.shape_cast %reduce_sum3A_9 : vector<32768xf32> to vector<1x32768xf32>
    %reduce_max3A = vector.shape_cast %broadcast_in_dim3A_10 : vector<1x32768xf32> to vector<1x1x32768xf32>
    %reduce_max3A_11 = arith.constant dense<0xFF800000> : vector<1xf32>
    %reduce_max3A_12 = vector.multi_reduction <maximumf>, %reduce_max3A, %reduce_max3A_11 [1, 2] : vector<1x1x32768xf32> to vector<1xf32>
    %reduce_max3A_13 = vector.shape_cast %reduce_max3A_12 : vector<1xf32> to vector<1x1x1xf32>
    %reduce_max3A_14 = vector.extract %reduce_max3A_13[0, 0, 0] : f32 from vector<1x1x1xf32>
    %sqrt3A = math.sqrt %reduce_max3A_14 : f32
    %mul3A_15 = arith.constant 2.000000e+00 : f32
    %mul3A_16 = arith.mulf %sqrt3A, %mul3A_15 : f32
    %div3A_17 = vector.broadcast %mul3A_16 : f32 to vector<3x32768xf32>
    %div3A_18 = arith.divf %sub3A_7, %div3A_17 : vector<3x32768xf32>
    %add3A = arith.constant 5.000000e-01 : f32
    %add3A_19 = vector.broadcast %add3A : f32 to vector<3x32768xf32>
    %add3A_20 = arith.addf %div3A_18, %add3A_19 : vector<3x32768xf32>
    %mul3A_21 = arith.constant 3.200000e+01 : f32
    %mul3A_22 = vector.broadcast %mul3A_21 : f32 to vector<3x32768xf32>
    %mul3A_23 = arith.mulf %add3A_20, %mul3A_22 : vector<3x32768xf32>
    %jit3A = arith.constant 0.000000e+00 : f32
    %jit3A_24 = arith.constant 3.100000e+01 : f32
    %max3A = vector.broadcast %jit3A : f32 to vector<3x32768xf32>
    %max3A_25 = arith.maximumf %max3A, %mul3A_23 : vector<3x32768xf32>
    %min3A = vector.broadcast %jit3A_24 : f32 to vector<3x32768xf32>
    %min3A_26 = arith.minimumf %min3A, %max3A_25 : vector<3x32768xf32>
    %swap3A = arith.constant 0 : index
    %swap3A_27 = arith.constant 0 : index
    %swap3A_28 = arith.constant 0 : index
    %swap3A_29 = vector.load %arg2[%swap3A, %swap3A_27, %swap3A_28] : memref<1x3x32768xf32, #tpu.memory_space<vmem>>, vector<1x3x32768xf32>
    %swap3A_30 = vector.shape_cast %swap3A_29 : vector<1x3x32768xf32> to vector<3x32768xf32>
    %swap3A_31 = vector.shape_cast %min3A_26 : vector<3x32768xf32> to vector<1x3x32768xf32>
    tpu.vector_store %arg2[%swap3A, %swap3A_27, %swap3A_28], %swap3A_31 {strides = array<i32>} : memref<1x3x32768xf32, #tpu.memory_space<vmem>>, vector<1x3x32768xf32>,
    %round3A = math.roundeven %min3A_26 : vector<3x32768xf32>
    %convert_element_type3A = arith.fptosi %round3A : vector<3x32768xf32> to vector<3x32768xi32>
    %slice3A = vector.extract_strided_slice %convert_element_type3A {offsets = [0, 0], sizes = [1, 32768], strides = [1, 1]} : vector<3x32768xi32> to vector<1x32768xi32>
    %squeeze3A = vector.shape_cast %slice3A : vector<1x32768xi32> to vector<32768xi32>
    %mul3A_32 = arith.constant 1024 : i32
    %mul3A_33 = vector.broadcast %mul3A_32 : i32 to vector<32768xi32>
    %mul3A_34 = arith.muli %squeeze3A, %mul3A_33 : vector<32768xi32>
    %slice3A_35 = vector.extract_strided_slice %convert_element_type3A {offsets = [1, 0], sizes = [1, 32768], strides = [1, 1]} : vector<3x32768xi32> to vector<1x32768xi32>
    %squeeze3A_36 = vector.shape_cast %slice3A_35 : vector<1x32768xi32> to vector<32768xi32>
    %mul3A_37 = arith.constant 32 : i32
    %mul3A_38 = vector.broadcast %mul3A_37 : i32 to vector<32768xi32>
    %mul3A_39 = arith.muli %squeeze3A_36, %mul3A_38 : vector<32768xi32>
    %add3A_40 = arith.addi %mul3A_34, %mul3A_39 : vector<32768xi32>
    %slice3A_41 = vector.extract_strided_slice %convert_element_type3A {offsets = [2, 0], sizes = [1, 32768], strides = [1, 1]} : vector<3x32768xi32> to vector<1x32768xi32>
    %squeeze3A_42 = vector.shape_cast %slice3A_41 : vector<1x32768xi32> to vector<32768xi32>
    %add3A_43 = arith.addi %add3A_40, %squeeze3A_42 : vector<32768xi32>
    %swap3A_44 = arith.constant 0 : index
    %swap3A_45 = vector.load %arg3[%swap3A_44] : memref<32768xi32, #tpu.memory_space<vmem>>, vector<32768xi32>
    tpu.vector_store %arg3[%swap3A_44], %add3A_43 {strides = array<i32>} : memref<32768xi32, #tpu.memory_space<vmem>>, vector<32768xi32>,
    return
  }
  func.func @transform_0(%arg0: i32) -> (i32, i32, i32) {
    %c0_i32 = arith.constant 0 : i32
    %c0_i32_0 = arith.constant 0 : i32
    %c0_i32_1 = arith.constant 0 : i32
    return %arg0, %c0_i32, %c0_i32_0 : i32, i32, i32
  }
  func.func @transform_1(%arg0: i32) -> (i32, i32, i32) {
    %c0_i32 = arith.constant 0 : i32
    %c0_i32_0 = arith.constant 0 : i32
    %c0_i32_1 = arith.constant 0 : i32
    return %arg0, %c0_i32, %c0_i32_0 : i32, i32, i32
  }
  func.func @transform_2(%arg0: i32) -> i32 {
    %c0_i32 = arith.constant 0 : i32
    return %arg0 : i32
  }
}

module attributes {stable_mosaic.version = 14 : i64} {
  func.func @_detile_body(%arg0: i32, %arg1: i32, %arg2: memref<1x8x32768xf32, #tpu.memory_space<vmem>>, %arg3: memref<262144xf32, #tpu.memory_space<vmem>>) attributes {dimension_semantics = [#tpu.dimension_semantics<arbitrary>, #tpu.dimension_semantics<arbitrary>], iteration_bounds = array<i64: 16, 8>, scalar_prefetch = 0 : i64, scratch_operands = 0 : i64, tpu.core_type = #tpu.core_type<tc>, window_params = [{transform_indices = @transform_0, window_bounds = array<i64: 1, 8, 32768>}, {transform_indices = @transform_1, window_bounds = array<i64: 262144>}]} {
    %get3A = arith.constant 0 : index
    %get3A_0 = arith.constant 0 : index
    %get3A_1 = arith.constant 0 : index
    %get3A_2 = vector.load %arg2[%get3A, %get3A_0, %get3A_1] : memref<1x8x32768xf32, #tpu.memory_space<vmem>>, vector<1x8x32768xf32>
    %get3A_3 = vector.shape_cast %get3A_2 : vector<1x8x32768xf32> to vector<8x32768xf32>
    %reshape3A = vector.shape_cast %get3A_3 : vector<8x32768xf32> to vector<262144xf32>
    %swap3A = arith.constant 0 : index
    %swap3A_4 = vector.load %arg3[%swap3A] : memref<262144xf32, #tpu.memory_space<vmem>>, vector<262144xf32>
    tpu.vector_store %arg3[%swap3A], %reshape3A {strides = array<i32>} : memref<262144xf32, #tpu.memory_space<vmem>>, vector<262144xf32>,
    return
  }
  func.func @transform_0(%arg0: i32, %arg1: i32) -> (i32, i32, i32) {
    %c0_i32 = arith.constant 0 : i32
    %c0_i32_0 = arith.constant 0 : i32
    return %arg0, %arg1, %c0_i32 : i32, i32, i32
  }
  func.func @transform_1(%arg0: i32, %arg1: i32) -> i32 {
    %mul3A = arith.constant 8 : i32
    %mul3A_0 = arith.muli %arg0, %mul3A : i32
    %add3A = arith.addi %mul3A_0, %arg1 : i32
    %c0_i32 = arith.constant 0 : i32
    return %add3A : i32
  }
}

</mosaic_0001>

<sc_bundles>
// kernel: kernel.5.cloned.1.call-start
scs
__scs_entry_jumppad:
0x0: {  	(pc) =	sbr.rel $0x88, $3  }
0x1: {  	(tag) =	ssettag $0x0;
	lr =	simm.s32 $0x1  }
0x2: {  	[smem:$0x3F9F] =	sst lr;
	_ =	strace $0xD0000000  }
0x3: {  	_ = 	snop  }
0x4: {  	_ = 	snop  }
0x5: {  	_ = 	snop  }
0x6: {  	_ = 	snop  }
0x7: {  	_ = 	snop  }
__scs_overlays_trampoline_lowered:
0x8: {  	[smem:$0x3FAE] =	sst s0  }
0x9: {  	[smem:$0x3FAF] =	sst s1  }
0xa: {  	[smem:$0x3FB0] =	sst s2  }
0xb: {  	[smem:$0x3FB1] =	sst s3  }
0xc: {  	[smem:$0x3FB2] =	sst s4  }
0xd: {  	[smem:$0x3FB3] =	sst s5  }
0xe: {  	[smem:$0x3FB4] =	sst s6  }
0xf: {  	[smem:$0x3FB5] =	sst s7  }
0x10: {  	[smem:$0x3FB6] =	sst s8  }
0x11: {  	[smem:$0x3FB7] =	sst s9;
	s0 =	simm.s32 @!p0 $0x0  }
0x12: {  	s1 =	sld [smem:$0x3F9D];
	s0 =	simm.s32 @p0 $0x1  }
0x13: {  	[smem:$0x3FB8] =	sst s0;
	s0 =	simm.s32 @!p1 $0x0  }
0x14: {  	s2 =	sld [smem:$0x3F9C];
	s0 =	simm.s32 @p1 $0x1  }
0x15: {  	[smem:$0x3FB9] =	sst s0;
	s0 =	simm.s32 @!p2 $0x0  }
0x16: {  	s3 =	sld [smem:$0x3FDB];
	s0 =	simm.s32 @p2 $0x1  }
0x17: {  	s4 =	simm.s32 $0x1BF5;
	[smem:$0x3FBB] =	sst s0  }
0x18: {  	s0 =	sld [smem:$0x3F9E];
	_ =	swait.ge [sflag:s4], $0x0  }
0x19: {  	s7 =	sld [smem:$0x3F9F]  }
0x1a: {  	s8 =	sadd.s32 $0xFFFFE003, lr  }
0x1b: {  	s9 =	sadd.s32 $0xFFFFFEF7, lr;
	s5 =	simm.s32 $0xFFFFFFFF;
	p2 =	slt.u32 s8, $0xFFFFF086  }
0x1c: {  	p1 =	slt.u32 s9, $0xF7A;
	s5 =	simm.s32 @!p2 $0x0  }
0x1d: {  	s5 =	simm.s32 @p1 $0x1;
	p0 =	seq.s32 s7, s2  }
0x1e: {  	s7 =	smul.u32 @!p0 $0xF7A, s2;
	p2 =	seq.s32 @!p0 s5, $0x0  }
0x1f: {  	s9 =	smul.u32 $0xF7A, s1;
	s8 =	simm.s32 @!p0 $0x1BF5;
	p2 =	por !p2, p0  }
0x20: {  	[sflag:s8] =	ssyncset.s32 @!p0 $0xFFFFF086;
	s6 =	sadd.s32 @!p0 s3, s7;
	s7 =	simm.s32 @!p0 $0x108  }
0x21: {  	s3 =	sadd.s32 s3, s9;
	s6 =	sadd.s32 @!p0 $0x88, s6;
	s7 =	simm.s32 @p2 $0x1082  }
0x22: {  	[simem:s7], [sflag:s8] =	dma.local @!p0 [hbm:s6], $0xF7A  }
0x23: {  	s9 =	sor.u32 $0xD0000000, s2;
	s6 =	simm.s32 $0x108;
	_ =	swait.ge @!p0 [sflag:s8], $0x0  }
0x24: {  	s3 =	sadd.s32 $0x88, s3;
	s6 =	simm.s32 @!p1 $0x1082;
	[sflag:s4] =	ssyncset.s32 $0xFFFFF086  }
0x25: {  	[simem:s6], [sflag:s4] =	dma.local [hbm:s3], $0xF7A  }
0x26: {  	[smem:$0x3F9F] =	sst s1;
	(tag) =	ssettag s2;
	_ =	strace s9  }
0x27: {  	s1 =	sld [smem:$0x3FAF]  }
0x28: {  	s2 =	sld [smem:$0x3FB0]  }
0x29: {  	s4 =	sld [smem:$0x3FB2]  }
0x2a: {  	p0 =	seq.s32 s5, $0x0;
	s5 =	sld [smem:$0x3FB3]  }
0x2b: {  	s6 =	sld [smem:$0x3FB4]  }
0x2c: {  	s7 =	sld [smem:$0x3FB5]  }
0x2d: {  	s3 =	simm.s32 $0x108;
	s8 =	sld [smem:$0x3FB6]  }
0x2e: {  	s3 =	simm.s32 @!p0 $0x1082;
	s9 =	sld [smem:$0x3FB7]  }
0x2f: {  	lr =	sadd.s32 s0, s3;
	s0 =	sld [smem:$0x3FAE]  }
0x30: {  	s3 =	sld [smem:$0x3FB1]  }
0x31: {  	[smem:$0x3FBA] =	sst s10  }
0x32: {  	s10 =	sld [smem:$0x3FB8];
	_ =	sdelay $0x3  }
0x33: {  	p0 =	seq.s32 s10, $0x1;
	s10 =	sld [smem:$0x3FBA];
	_ =	sdelay $0x3  }
0x34: {  	[smem:$0x3FBA] =	sst s10  }
0x35: {  	s10 =	sld [smem:$0x3FB9];
	_ =	sdelay $0x3  }
0x36: {  	p1 =	seq.s32 s10, $0x1;
	s10 =	sld [smem:$0x3FBA];
	_ =	sdelay $0x3  }
0x37: {  	[smem:$0x3FBA] =	sst s10  }
0x38: {  	s10 =	sld [smem:$0x3FBB]  }
0x39: {  	_ = 	snop;
	(pc) =	sbr.ind lr, $3  }
0x3a: {  	_ = 	snop  }
0x3b: {  	_ = 	snop  }
0x3c: {  	p2 =	seq.s32 s10, $0x1;
	s10 =	sld [smem:$0x3FBA]  }
0x3d: {  	_ =	shalt  }
0x3e: {  	_ =	shalt  }
0x3f: {  	_ =	shalt  }
0x40: {  	_ =	shalt  }
0x41: {  	_ =	shalt  }
0x42: {  	_ =	shalt  }
0x43: {  	_ =	shalt  }
0x44: {  	_ =	shalt  }
0x45: {  	_ =	shalt  }
0x46: {  	_ =	shalt  }
0x47: {  	_ =	shalt  }
0x48: {  	_ =	shalt  }
0x49: {  	_ =	shalt  }
0x4a: {  	_ =	shalt  }
0x4b: {  	_ =	shalt  }
0x4c: {  	_ =	shalt  }
0x4d: {  	_ =	shalt  }
0x4e: {  	_ =	shalt  }
0x4f: {  	_ =	shalt  }
0x50: {  	_ =	shalt  }
0x51: {  	_ =	shalt  }
0x52: {  	_ =	shalt  }
0x53: {  	_ =	shalt  }
0x54: {  	_ =	shalt  }
0x55: {  	_ =	shalt  }
0x56: {  	_ =	shalt  }
0x57: {  	_ =	shalt  }
0x58: {  	_ =	shalt  }
0x59: {  	_ =	shalt  }
0x5a: {  	_ =	shalt  }
0x5b: {  	_ =	shalt  }
0x5c: {  	_ =	shalt  }
0x5d: {  	_ =	shalt  }
0x5e: {  	_ =	shalt  }
0x5f: {  	_ =	shalt  }
0x60: {  	_ =	shalt  }
0x61: {  	_ =	shalt  }
0x62: {  	_ =	shalt  }
0x63: {  	_ =	shalt  }
0x64: {  	_ =	shalt  }
0x65: {  	_ =	shalt  }
0x66: {  	_ =	shalt  }
0x67: {  	_ =	shalt  }
0x68: {  	_ =	shalt  }
0x69: {  	_ =	shalt  }
0x6a: {  	_ =	shalt  }
0x6b: {  	_ =	shalt  }
0x6c: {  	_ =	shalt  }
0x6d: {  	_ =	shalt  }
0x6e: {  	_ =	shalt  }
0x6f: {  	_ =	shalt  }
0x70: {  	_ =	shalt  }
0x71: {  	_ =	shalt  }
0x72: {  	_ =	shalt  }
0x73: {  	_ =	shalt  }
0x74: {  	_ =	shalt  }
0x75: {  	_ =	shalt  }
0x76: {  	_ =	shalt  }
0x77: {  	_ =	shalt  }
0x78: {  	_ =	shalt  }
0x79: {  	_ =	shalt  }
0x7a: {  	_ =	shalt  }
0x7b: {  	_ =	shalt  }
0x7c: {  	_ =	shalt  }
0x7d: {  	_ =	shalt  }
0x7e: {  	_ =	shalt  }
0x7f: {  	_ =	shalt  }
0x80: {  	_ =	shalt  }
0x81: {  	_ =	shalt  }
0x82: {  	_ =	shalt  }
0x83: {  	_ =	shalt  }
0x84: {  	_ =	shalt  }
0x85: {  	_ =	shalt  }
0x86: {  	_ =	shalt  }
0x87: {  	_ =	shalt  }
.Lfunc_end0:
.L_simem_size_0:
called_computation.1_lowered:
.L_overlay_start_0:
0x88: {  	s2 =	sld [smem:$0x3FD9]  }
0x89: {  	s3 =	sld [smem:$0x3FFE];
	_ =	sdelay $0x1  }
0x8a: {  	s1 =	srdreg.scid  }
0x8b: {  	s0 =	sand.u32 $0x1, s1  }
0x8c: {  	s14 =	sshll.u32 s0, $0xA;
	s2 =	sadd.s32 s3, s2  }
0x8d: {  	s2 =	sadd.s32 s2, s14  }
0x8e: {  	[smem:$0x3FC6] =	sst s2  }
0x8f: {  	_ = 	snop  }
0x90: {  	s2 =	sld [smem:$0x3FD0];
	_ =	sdelay $0x2  }
0x91: {  	s15 =	simm.s32 $0xA;
	s4 =	simm.s32 $0x10  }
0x92: {  	[smem:s4], [sflag:s15] =	dma.local [hbm:s2], $0x1  }
0x93: {  	_ =	swait.eq [sflag:s15], $0x1  }
0x94: {  	[sflag:s15] =	ssyncset.done $0x0  }
0x95: {  	s16 =	sld [smem:$0x10];
	[sflag:s15] =	ssyncadd.s32 $0xFFFFFFFF  }
0x96: {  	s17 =	sld [smem:$0x11];
	(tm) =	ssettm $0x1  }
0x97: {  	s18 =	sld [smem:$0x3FFB];
	_ =	sdelay $0x3  }
0x98: {  	_ =	strace s18  }
0x99: {  	s4 =	sld [smem:$0x3FFC];
	_ =	sdelay $0x3  }
0x9a: {  	_ =	strace s4  }
0x9b: {  	s4 =	sld [smem:$0x3FFD];
	_ =	sdelay $0x3  }
0x9c: {  	_ =	strace s4  }
0x9d: {  	_ =	strace $0x8FFFFFFF  }
0x9e: {  	s19 =	sld [smem:$0x3FDB];
	_ =	sdelay $0x1  }
0x9f: {  	s5 =	simm.s32 $_scs_section_size  }
0xa0: {  	s6 =	simm.s32 $_size__tile_overlayer_lowered;
	s7 =	simm.s32 $_tile_overlayer_lowered  }
0xa1: {  	s22 =	simm.s32 $0x1BFF;
	s21 =	sshll.u32 s7, $0x1;
	s4 =	sadd.s32 s5, s19  }
0xa2: {  	s8 =	simm.s32 $0x0;
	s20 =	sshll.u32 s6, $0x1;
	s6 =	sadd.s32 s21, s4  }
0xa3: {  	[timem:s8], [sflag:s22] =	dma.local [hbm:s6], s20  }
0xa4: {  	_ =	swait.ge [sflag:s22], s20  }
0xa5: {  	s5 =	ssub.s32 $0x0, s20;
	[sflag:s22] =	ssyncset.done $0x0  }
0xa6: {  	[sflag:s22] =	ssyncadd.s32 s5;
	_ =	sdelay $0x1  }
0xa7: {  	s23 =	simm.s32 $0x1B8B  }
0xa8: {  	_ =	swait.ge [sflag:s23], $0x1  }
0xa9: {  	[sflag:s23] =	ssyncset.done $0x0  }
0xaa: {  	s25 =	simm.s32 $0x1B8E;
	s24 =	sld [smem:$0x3FFE];
	[sflag:s23] =	ssyncadd.s32 $0xFFFFFFFF  }
0xab: {  	s26 =	simm.s32 $execute0_lowered;
	[smem:$0x3FD2] =	sst s25  }
0xac: {  	s6 =	sshll.u32 s26, $0x1;
	_ =	strace $0x80000046;
	[dreg:$0x1] =	wrdreg $0xFFFFFFFF  }
0xad: {  	s28 =	simm.s32 $_size_execute0_lowered;
	s4 =	sadd.s32 s4, s6;
	[dreg:$0x0] =	wrdreg $0x0  }
0xae: {  	s6 =	sshll.u32 s28, $0x1;
	[dreg:$0x2] =	wrdreg s4  }
0xaf: {  	[dreg:$0x3] =	wrdreg s6  }
0xb0: {  	[dreg:$0x4] =	wrdreg $0xC0  }
0xb1: {  	_ =	task [dreg:s8], $0x5FFFF  }
0xb2: {  	[dreg:$0x1] =	wrdreg $0xFFFFFFFF  }
0xb3: {  	[dreg:$0x0] =	wrdreg $0x60  }
0xb4: {  	[dreg:$0x2] =	wrdreg s16  }
0xb5: {  	[dreg:$0x3] =	wrdreg s17  }
0xb6: {  	[dreg:$0x4] =	wrdreg s24  }
0xb7: {  	[dreg:$0x5] =	wrdreg $0x9  }
0xb8: {  	_ =	task.clear_ibuf [dreg:s8], $0x6FFFF;
	_ =	strace $0x90000046  }
0xb9: {  	s29 =	simm.s32 $0x9;
	_ =	strace $0x80000048  }
0xba: {  	_ =	swait.ge [sflag:s29], $0x1  }
0xbb: {  	[sflag:s29] =	ssyncadd.s32 $0xFFFFFFFF  }
0xbc: {  	_ =	strace $0x90000048  }
0xbd: {  	_ =	sfence  }
0xbe: {  	s30 =	sld [smem:$0x0];
	_ =	sdelay $0x2  }
0xbf: {  	s31 =	sshll.u32 s1, $0xD;
	s1 =	sshrl.u32 s1, $0x2  }
0xc0: {  	s3 =	sand.u32 $0x4000, s31;
	s1 =	sadd.s32 s1, s30  }
0xc1: {  	s0 =	sor.u32 s3, s0;
	s1 =	sshll.u32 s1, $0x11  }
0xc2: {  	s0 =	sor.u32 s1, s0  }
0xc3: {  	s0 =	sadd.s32 $0x8F2B, s0  }
0xc4: {  	[sflag:s0] =	ssyncadd.remote.s32 $0x1  }
0xc5: {  	_ =	sfence.sel $0xFFFF  }
0xc6: {  	[dreg:$0x0] =	wrdreg $0xFFFFFFFF;
	(pc) =	sbr.abs _section_cstart, $3  }
0xc7: {  	[dreg:$0x1] =	wrdreg $0xFFFFFFFF  }
0xc8: {  	_ =	task.clear_ibuf [dreg:s8], $0x2FFFF;
	_ =	strace $0x9FFFFFFF  }
0xc9: {  	(tm) =	ssettm $0x7FFFFFFF  }
tec
execute0_lowered:
.L_overlay_start_1:
0x0: {  	(tag) =	ssettag $0x1  }
0x1: {  	s1 =	rddreg [dreg:$0x0]  }
0x2: {  	s5 =	rddreg [dreg:$0x1]  }
0x3: {  	s3 =	rddreg [dreg:$0x2]  }
0x4: {  	s0 =	rddreg [dreg:$0x3]  }
0x5: {  	s2 =	simm.s32 $0x0;
	s4 =	srdreg.scid;
	s12 =	simm.s32 $0x10000  }
0x6: {  	s13 =	simm.s32 $0x18000;
	s14 =	simm.s32 $0x1A000;
	s15 =	simm.s32 $0x1  }
0x7: {  	s16 =	simm.s32 $0x2;
	s17 =	simm.s32 $0x3;
	s18 =	simm.s32 $0x0  }
0x8: {  	[smem:$0x7FF] =	sst s2;
	s6 =	sand.u32 $0x1, s4;
	s4 =	sadd.s32 $0x41000, s3  }
0x9: {  	s3 =	stileid.u32;
	_ =	strace $0x80000047;
	s7 =	ssub.s32 $0x2, s6  }
0xa: {  	s9 =	sshll.u32 s3, $0xC;
	s10 =	sshll.u32 s3, $0x12;
	s6 =	sshll.u32 s6, $0x11  }
0xb: {  	s8 =	sshrl.u32 s7, $0x1;
	s5 =	sadd.s32 s5, s9;
	s6 =	sor.u32 s10, s6  }
0xc: {  	s9 =	sadd.s32 $0xC00, s1;
	s11 =	ssub.s32 s7, s8;
	s7 =	sadd.s32 $0x400, s1  }
0xd: {  	v0 =	vimm.f32 $0.0e+00;
	v1 =	vimm.f32 $1.000000000e+00;
	s8 =	sadd.s32 $0x800, s1;
	s10 =	smax.u32 s11, $0x1;
	s11 =	simm.s32 $0x4  }
.LBB2_1:
0xe: {  	[tilespmem:s2], [sflag:$0x4] =	stream.linear.gather [hbm4b:s5+s2], $0x8000, $0x38;
	[tilespmem:$0x1C000] =	vst v63  }
0xf: {  	_ =	swait.ge [sflag:s11], $0x8000  }
0x10: {  	[sflag:s11] =	ssyncset.done $0x0  }
0x11: {  	s19 =	simm.s32 $0x10040;
	[sflag:s11] =	ssyncadd.s32 $0xFFFF8000  }
0x12: {  	[tilespmem:s19+$0xFFFFFFC0] =	vst v0  }
0x13: {  	[tilespmem:s19+$0x30] =	vst v0  }
0x14: {  	[tilespmem:s19+$0x20] =	vst v0  }
0x15: {  	[tilespmem:s19+$0x10] =	vst v0  }
0x16: {  	[tilespmem:s19+$0x0] =	vst v0  }
0x17: {  	[tilespmem:s19+$0xFFFFFFF0] =	vst v0  }
0x18: {  	s21 =	simm.s32 $0x0;
	[tilespmem:s19+$0xFFFFFFE0] =	vst v0  }
.LBB2_2:
0x19: {  	s21 =	sadd.s32 $0x80, s21;
	[tilespmem:s19+$0xFFFFFFD0] =	vst v0;
	s19 =	sadd.s32 $0x80, s19;
	s20 =	simm.s32 $0x40  }
0x1a: {  	[tilespmem:s19+$0xFFFFFFC0] =	vst v0;
	p0 =	slt.u32 s21, $0x7F80  }
0x1b: {  	[tilespmem:s19+$0x30] =	vst v0  }
.Ltmp0:
0x1c: {  	[tilespmem:s19+$0x20] =	vst v0;
	(pc) =	sbr.rel @p0 .LBB2_2-.Ltmp0, $4  }
0x1d: {  	[tilespmem:s19+$0x10] =	vst v0  }
0x1e: {  	[tilespmem:s19+$0x0] =	vst v0  }
0x1f: {  	[tilespmem:s19+$0xFFFFFFF0] =	vst v0  }
0x20: {  	[tilespmem:s19+$0xFFFFFFE0] =	vst v0  }
0x21: {  	[tilespmem:s19+$0xFFFFFFD0] =	vst v0  }
0x22: {  	v3 =	vld [tilespmem:s20+$0xFFFFFFC0]  }
0x23: {  	v4 =	vld [tilespmem:s20+$0x30]  }
0x24: {  	v5 =	vld [tilespmem:s20+$0x20]  }
0x25: {  	v6 =	vld [tilespmem:s20+$0x10]  }
0x26: {  	v7 =	vld [tilespmem:s20+$0x0]  }
0x27: {  	v8 =	vld [tilespmem:s20+$0xFFFFFFF0]  }
0x28: {  	v9 =	vld [tilespmem:s20+$0xFFFFFFE0]  }
0x29: {  	v2 =	vld [tilespmem:s20+$0xFFFFFFD0]  }
0x2a: {  	[tilespmem:v3+s12+$0x0] =	vst.idx.add.f32.msk $0xffff, v1  }
0x2b: {  	[tilespmem:v4+s12+$0x0] =	vst.idx.add.f32.msk $0xffff, v1  }
0x2c: {  	[tilespmem:v5+s12+$0x0] =	vst.idx.add.f32.msk $0xffff, v1  }
0x2d: {  	[tilespmem:v6+s12+$0x0] =	vst.idx.add.f32.msk $0xffff, v1  }
0x2e: {  	[tilespmem:v7+s12+$0x0] =	vst.idx.add.f32.msk $0xffff, v1  }
0x2f: {  	[tilespmem:v8+s12+$0x0] =	vst.idx.add.f32.msk $0xffff, v1  }
0x30: {  	s21 =	simm.s32 $0x0;
	s19 =	simm.s32 $0x8040;
	s22 =	simm.s32 $0x40;
	[tilespmem:v9+s12+$0x0] =	vst.idx.add.f32.msk $0xffff, v1  }
.LBB2_4:
0x31: {  	s21 =	sadd.s32 $0x80, s21;
	[tilespmem:v2+s12+$0x0] =	vst.idx.add.f32.msk $0xffff, v1;
	s22 =	sadd.s32 $0x80, s22  }
0x32: {  	v3 =	vld [tilespmem:s22+$0xFFFFFFC0];
	p0 =	slt.u32 s21, $0x7F80  }
0x33: {  	v4 =	vld [tilespmem:s22+$0x30]  }
0x34: {  	v5 =	vld [tilespmem:s22+$0x20]  }
0x35: {  	v6 =	vld [tilespmem:s22+$0x10]  }
0x36: {  	v7 =	vld [tilespmem:s22+$0x0]  }
0x37: {  	v8 =	vld [tilespmem:s22+$0xFFFFFFF0]  }
0x38: {  	v9 =	vld [tilespmem:s22+$0xFFFFFFE0]  }
0x39: {  	v2 =	vld [tilespmem:s22+$0xFFFFFFD0]  }
0x3a: {  	[tilespmem:v3+s12+$0x0] =	vst.idx.add.f32.msk $0xffff, v1  }
0x3b: {  	[tilespmem:v4+s12+$0x0] =	vst.idx.add.f32.msk $0xffff, v1  }
.Ltmp1:
0x3c: {  	[tilespmem:v5+s12+$0x0] =	vst.idx.add.f32.msk $0xffff, v1;
	(pc) =	sbr.rel @p0 .LBB2_4-.Ltmp1, $4  }
0x3d: {  	[tilespmem:v6+s12+$0x0] =	vst.idx.add.f32.msk $0xffff, v1  }
0x3e: {  	[tilespmem:v7+s12+$0x0] =	vst.idx.add.f32.msk $0xffff, v1  }
0x3f: {  	[tilespmem:v8+s12+$0x0] =	vst.idx.add.f32.msk $0xffff, v1  }
0x40: {  	[tilespmem:v9+s12+$0x0] =	vst.idx.add.f32.msk $0xffff, v1  }
0x41: {  	_ =	sdelay $0x3  }
0x42: {  	[tilespmem:v2+s12+$0x0] =	vst.idx.add.f32.msk $0xffff, v1  }
0x43: {  	v2 =	vld [tilespmem:s20+$0x30]  }
0x44: {  	v3 =	vld [tilespmem:s20+$0xFFFFFFD0]  }
0x45: {  	v4 =	vld [tilespmem:s20+$0xFFFFFFE0]  }
0x46: {  	v5 =	vld [tilespmem:s20+$0xFFFFFFF0]  }
0x47: {  	v6 =	vld [tilespmem:s20+$0x0]  }
0x48: {  	v7 =	vld [tilespmem:s20+$0x10]  }
0x49: {  	v8 =	vld [tilespmem:s20+$0x20]  }
0x4a: {  	v9 =	vld [tilespmem:s20+$0xFFFFFFC0]  }
0x4b: {  	v2 =	vld.idx.msk [tilespmem:v2+s12+$0x0], $0xffff  }
0x4c: {  	v3 =	vld.idx.msk [tilespmem:v3+s12+$0x0], $0xffff  }
0x4d: {  	v4 =	vld.idx.msk [tilespmem:v4+s12+$0x0], $0xffff  }
0x4e: {  	v5 =	vld.idx.msk [tilespmem:v5+s12+$0x0], $0xffff  }
0x4f: {  	v6 =	vld.idx.msk [tilespmem:v6+s12+$0x0], $0xffff  }
0x50: {  	v7 =	vld.idx.msk [tilespmem:v7+s12+$0x0], $0xffff  }
0x51: {  	v8 =	vld.idx.msk [tilespmem:v8+s12+$0x0], $0xffff;
	v2 =	vmax.f32 v2, $1.000000000e+00  }
0x52: {  	s31 =	simm.s32 $0xC0;
	v9 =	vld.idx.msk [tilespmem:v9+s12+$0x0], $0xffff;
	v3 =	vmax.f32 v3, $1.000000000e+00;
	(erf) = vrcp.f32 v2  }
0x53: {  	v4 =	vmax.f32 v4, $1.000000000e+00;
	v2 =	vld [tilespmem:s31+$0x30];
	(erf) = vrcp.f32 v3  }
0x54: {  	v5 =	vmax.f32 v5, $1.000000000e+00;
	v3 =	vld [tilespmem:s31+$0xFFFFFFD0];
	(erf) = vrcp.f32 v4  }
0x55: {  	v6 =	vmax.f32 v6, $1.000000000e+00;
	v4 =	vld [tilespmem:s31+$0xFFFFFFE0];
	(erf) = vrcp.f32 v5  }
0x56: {  	v7 =	vmax.f32 v7, $1.000000000e+00;
	v5 =	vld [tilespmem:s31+$0xFFFFFFF0];
	(erf) = vrcp.f32 v6  }
0x57: {  	v8 =	vmax.f32 v8, $1.000000000e+00;
	v6 =	vld [tilespmem:s31+$0x0];
	(erf) = vrcp.f32 v7  }
0x58: {  	(erf) = vrcp.f32 v8;
	v8 =	vld [tilespmem:s31+$0x20]  }
0x59: {  	v9 =	vmax.f32 v9, $1.000000000e+00;
	v7 =	vld [tilespmem:s31+$0x10]  }
0x5a: {  	(erf) = vrcp.f32 v9;
	v9 =	vld [tilespmem:s31+$0xFFFFFFC0]  }
0x5b: {  	v10 =	vld.idx.msk [tilespmem:v2+s12+$0x0], $0xffff;
	v2 =	vpop (erf)  }
0x5c: {  	v11 =	vld.idx.msk [tilespmem:v3+s12+$0x0], $0xffff;
	[tilespmem:s19+$0x30] =	vst v2;
	v2 =	vpop (erf)  }
0x5d: {  	v3 =	vld.idx.msk [tilespmem:v4+s12+$0x0], $0xffff;
	v4 =	vpop (erf)  }
0x5e: {  	[tilespmem:s19+$0xFFFFFFD0] =	vst v2;
	v2 =	vld.idx.msk [tilespmem:v5+s12+$0x0], $0xffff;
	v5 =	vpop (erf)  }
0x5f: {  	[tilespmem:s19+$0xFFFFFFE0] =	vst v4;
	v4 =	vld.idx.msk [tilespmem:v6+s12+$0x0], $0xffff;
	v6 =	vpop (erf)  }
0x60: {  	[tilespmem:s19+$0x0] =	vst v6;
	v6 =	vld.idx.msk [tilespmem:v8+s12+$0x0], $0xffff;
	v8 =	vmax.f32 v10, $1.000000000e+00  }
0x61: {  	[tilespmem:s19+$0xFFFFFFF0] =	vst v5;
	v5 =	vld.idx.msk [tilespmem:v7+s12+$0x0], $0xffff;
	v7 =	vpop (erf)  }
0x62: {  	[tilespmem:s19+$0x10] =	vst v7;
	v10 =	vpop (erf)  }
0x63: {  	s21 =	simm.s32 $0x140;
	s20 =	simm.s32 $0x80;
	v7 =	vld.idx.msk [tilespmem:v9+s12+$0x0], $0xffff;
	v9 =	vmax.f32 v11, $1.000000000e+00;
	(erf) = vrcp.f32 v8;
	[tilespmem:s19+$0x20] =	vst v10;
	v8 =	vpop (erf)  }
.LBB2_6:
0x64: {  	v10 =	vld [tilespmem:s21+$0x30];
	s20 =	sadd.s32 $0x80, s20;
	v3 =	vmax.f32 v3, $1.000000000e+00;
	(erf) = vrcp.f32 v9;
	[tilespmem:s19+$0xFFFFFFC0] =	vst v8  }
0x65: {  	v2 =	vmax.f32 v2, $1.000000000e+00;
	v8 =	vld [tilespmem:s21+$0xFFFFFFD0];
	p0 =	slt.u32 s20, $0x7F80;
	(erf) = vrcp.f32 v3  }
0x66: {  	v4 =	vmax.f32 v4, $1.000000000e+00;
	v3 =	vld [tilespmem:s21+$0xFFFFFFE0];
	(erf) = vrcp.f32 v2  }
0x67: {  	v5 =	vmax.f32 v5, $1.000000000e+00;
	v2 =	vld [tilespmem:s21+$0xFFFFFFF0];
	(erf) = vrcp.f32 v4  }
0x68: {  	v6 =	vmax.f32 v6, $1.000000000e+00;
	v4 =	vld [tilespmem:s21+$0x0];
	(erf) = vrcp.f32 v5  }
0x69: {  	v7 =	vmax.f32 v7, $1.000000000e+00;
	v5 =	vld [tilespmem:s21+$0x10];
	(erf) = vrcp.f32 v6  }
0x6a: {  	v6 =	vld [tilespmem:s21+$0x20];
	(erf) = vrcp.f32 v7  }
0x6b: {  	v7 =	vld [tilespmem:s21+$0xFFFFFFC0]  }
0x6c: {  	s19 =	sadd.s32 $0x80, s19;
	v9 =	vld.idx.msk [tilespmem:v10+s12+$0x0], $0xffff;
	v10 =	vpop (erf)  }
0x6d: {  	v8 =	vld.idx.msk [tilespmem:v8+s12+$0x0], $0xffff;
	[tilespmem:s19+$0x30] =	vst v10;
	v10 =	vpop (erf)  }
0x6e: {  	v3 =	vld.idx.msk [tilespmem:v3+s12+$0x0], $0xffff;
	[tilespmem:s19+$0xFFFFFFD0] =	vst v10;
	v10 =	vpop (erf)  }
.Ltmp2:
0x6f: {  	v2 =	vld.idx.msk [tilespmem:v2+s12+$0x0], $0xffff;
	[tilespmem:s19+$0xFFFFFFE0] =	vst v10;
	v10 =	vpop (erf);
	(pc) =	sbr.rel @p0 .LBB2_6-.Ltmp2, $4  }
0x70: {  	v4 =	vld.idx.msk [tilespmem:v4+s12+$0x0], $0xffff;
	[tilespmem:s19+$0xFFFFFFF0] =	vst v10;
	v10 =	vpop (erf)  }
0x71: {  	v5 =	vld.idx.msk [tilespmem:v5+s12+$0x0], $0xffff;
	[tilespmem:s19+$0x0] =	vst v10;
	v10 =	vpop (erf)  }
0x72: {  	v11 =	vmax.f32 v9, $1.000000000e+00;
	v6 =	vld.idx.msk [tilespmem:v6+s12+$0x0], $0xffff;
	[tilespmem:s19+$0x10] =	vst v10;
	v10 =	vpop (erf)  }
0x73: {  	s21 =	sadd.s32 $0x80, s21;
	v9 =	vmax.f32 v8, $1.000000000e+00;
	v7 =	vld.idx.msk [tilespmem:v7+s12+$0x0], $0xffff;
	(erf) = vrcp.f32 v11;
	[tilespmem:s19+$0x20] =	vst v10;
	v8 =	vpop (erf)  }
0x74: {  	v3 =	vmax.f32 v3, $1.000000000e+00;
	(erf) = vrcp.f32 v9  }
0x75: {  	v2 =	vmax.f32 v2, $1.000000000e+00;
	(erf) = vrcp.f32 v3  }
0x76: {  	v3 =	vmax.f32 v4, $1.000000000e+00;
	(erf) = vrcp.f32 v2  }
0x77: {  	v2 =	vmax.f32 v5, $1.000000000e+00;
	(erf) = vrcp.f32 v3  }
0x78: {  	v3 =	vmax.f32 v6, $1.000000000e+00;
	(erf) = vrcp.f32 v2  }
0x79: {  	v2 =	vmax.f32 v7, $1.000000000e+00;
	(erf) = vrcp.f32 v3  }
0x7a: {  	(erf) = vrcp.f32 v2;
	_ =	sdelay $0x1  }
0x7b: {  	[tilespmem:s19+$0xFFFFFFC0] =	vst v8;
	s20 =	sadd.s32 $0x80, s19;
	v2 =	vpop (erf)  }
0x7c: {  	[tilespmem:s20+$0x30] =	vst v2;
	v2 =	vpop (erf)  }
0x7d: {  	[tilespmem:s20+$0xFFFFFFD0] =	vst v2;
	v2 =	vpop (erf)  }
0x7e: {  	[tilespmem:s20+$0xFFFFFFE0] =	vst v2;
	v2 =	vpop (erf)  }
0x7f: {  	[tilespmem:s20+$0xFFFFFFF0] =	vst v2;
	v2 =	vpop (erf)  }
0x80: {  	[tilespmem:s20+$0x0] =	vst v2;
	v2 =	vpop (erf)  }
0x81: {  	[tilespmem:s20+$0x10] =	vst v2;
	v2 =	vpop (erf)  }
0x82: {  	[tilespmem:s20+$0x20] =	vst v2;
	v2 =	vpop (erf)  }
0x83: {  	s19 =	simm.s32 $0x0;
	[tilespmem:s20+$0xFFFFFFC0] =	vst v2  }
.LBB2_8:
0x84: {  	p0 =	seq.s32 s19, $0x0  }
0x85: {  	s20 =	simm.s32 @!p0 $0x3  }
0x86: {  	_ =	swait.ge @!p0 [sflag:s20], $0x8000  }
0x87: {  	[sflag:s20] =	ssyncset.done @!p0 $0x0  }
0x88: {  	s21 =	simm.s32 $0x10040;
	[sflag:s20] =	ssyncadd.s32 @!p0 $0xFFFF8000  }
0x89: {  	[tilespmem:s21+$0xFFFFFFC0] =	vst v0  }
0x8a: {  	[tilespmem:s21+$0x30] =	vst v0  }
0x8b: {  	[tilespmem:s21+$0x20] =	vst v0  }
0x8c: {  	[tilespmem:s21+$0x10] =	vst v0  }
0x8d: {  	[tilespmem:s21+$0x0] =	vst v0  }
0x8e: {  	s31 =	sshll.u32 s19, $0xC;
	[tilespmem:s21+$0xFFFFFFF0] =	vst v0  }
0x8f: {  	s22 =	simm.s32 $0x0;
	s20 =	sadd.s32 s6, s31;
	[tilespmem:s21+$0xFFFFFFE0] =	vst v0  }
.LBB2_9:
0x90: {  	s22 =	sadd.s32 $0x80, s22;
	[tilespmem:s21+$0xFFFFFFD0] =	vst v0;
	s21 =	sadd.s32 $0x80, s21  }
0x91: {  	[tilespmem:s21+$0xFFFFFFC0] =	vst v0;
	p0 =	slt.u32 s22, $0x7F80  }
0x92: {  	[tilespmem:s21+$0x30] =	vst v0  }
.Ltmp3:
0x93: {  	[tilespmem:s21+$0x20] =	vst v0;
	(pc) =	sbr.rel @p0 .LBB2_9-.Ltmp3, $4  }
0x94: {  	[tilespmem:s21+$0x10] =	vst v0  }
0x95: {  	[tilespmem:s21+$0x0] =	vst v0  }
0x96: {  	[tilespmem:s21+$0xFFFFFFF0] =	vst v0  }
0x97: {  	[tilespmem:s21+$0xFFFFFFE0] =	vst v0  }
0x98: {  	[tilespmem:s21+$0xFFFFFFD0] =	vst v0;
	s30 =	sadd.s32 s1, s20  }
0x99: {  	[tilespmem:s13], [sflag:$0x1] =	stream.linear.gather [hbm4b:s30+s2], $0x2000, $0x38;
	[tilespmem:$0x1C000] =	vst v63  }
0x9a: {  	s31 =	sadd.s32 s20, s7  }
0x9b: {  	[tilespmem:s14], [sflag:$0x2] =	stream.linear.gather [hbm4b:s31+s2], $0x2000, $0x38;
	[tilespmem:$0x1C000] =	vst v63  }
0x9c: {  	_ =	swait.ge [sflag:s15], $0x2000  }
0x9d: {  	[sflag:s15] =	ssyncset.done $0x0  }
0x9e: {  	s23 =	simm.s32 $0x18040;
	[sflag:s15] =	ssyncadd.s32 $0xFFFFE000  }
0x9f: {  	s21 =	simm.s32 $0x40;
	v2 =	vld [tilespmem:s23+$0x30]  }
0xa0: {  	s22 =	simm.s32 $0x8040;
	v3 =	vld [tilespmem:s21+$0x30]  }
0xa1: {  	v4 =	vld [tilespmem:s22+$0x30]  }
0xa2: {  	v5 =	vld [tilespmem:s22+$0xFFFFFFC0]  }
0xa3: {  	v6 =	vld [tilespmem:s23+$0xFFFFFFD0]  }
0xa4: {  	v7 =	vld [tilespmem:s22+$0xFFFFFFD0]  }
0xa5: {  	v8 =	vld [tilespmem:s23+$0xFFFFFFE0]  }
0xa6: {  	v9 =	vld [tilespmem:s22+$0xFFFFFFE0]  }
0xa7: {  	v10 =	vld [tilespmem:s23+$0xFFFFFFC0]  }
0xa8: {  	v11 =	vld [tilespmem:s23+$0x0]  }
0xa9: {  	v12 =	vld [tilespmem:s22+$0x0];
	v2 =	vmul.f32 v4, v2  }
0xaa: {  	v13 =	vld [tilespmem:s21+$0xFFFFFFD0]  }
0xab: {  	[tilespmem:v3+s12+$0x0] =	vst.idx.add.f32.msk $0xffff, v2  }
0xac: {  	v3 =	vld [tilespmem:s21+$0xFFFFFFC0]  }
0xad: {  	v14 =	vld [tilespmem:s23+$0x10]  }
0xae: {  	v15 =	vld [tilespmem:s22+$0x10]  }
0xaf: {  	v58 =	vld [tilespmem:s21+$0xFFFFFFE0]  }
0xb0: {  	v59 =	vld [tilespmem:s21+$0x0]  }
0xb1: {  	v60 =	vld [tilespmem:s21+$0x10]  }
0xb2: {  	v4 =	vld [tilespmem:s23+$0xFFFFFFF0];
	v5 =	vmul.f32 v5, v10  }
0xb3: {  	v2 =	vld [tilespmem:s22+$0xFFFFFFF0]  }
0xb4: {  	[tilespmem:v3+s12+$0x0] =	vst.idx.add.f32.msk $0xffff, v5  }
0xb5: {  	v5 =	vld [tilespmem:s21+$0xFFFFFFF0]  }
0xb6: {  	v61 =	vld [tilespmem:s23+$0x20];
	v8 =	vmul.f32 v9, v8  }
0xb7: {  	v62 =	vld [tilespmem:s22+$0x20];
	v63 =	vmul.f32 v15, v14  }
0xb8: {  	[tilespmem:v58+s12+$0x0] =	vst.idx.add.f32.msk $0xffff, v8;
	v2 =	vmul.f32 v2, v4;
	v4 =	vmul.f32 v12, v11  }
0xb9: {  	[tilespmem:v60+s12+$0x0] =	vst.idx.add.f32.msk $0xffff, v63;
	v3 =	vmul.f32 v7, v6  }
0xba: {  	[tilespmem:v59+s12+$0x0] =	vst.idx.add.f32.msk $0xffff, v4  }
0xbb: {  	[tilespmem:v13+s12+$0x0] =	vst.idx.add.f32.msk $0xffff, v3  }
0xbc: {  	v3 =	vld [tilespmem:s21+$0x20]  }
0xbd: {  	s24 =	simm.s32 $0x180C0;
	s23 =	simm.s32 $0x0;
	[tilespmem:v5+s12+$0x0] =	vst.idx.add.f32.msk $0xffff, v2;
	v2 =	vmul.f32 v62, v61  }
.LBB2_11:
0xbe: {  	v4 =	vld [tilespmem:s24+$0x30];
	s21 =	sadd.s32 $0x80, s21  }
0xbf: {  	s23 =	sadd.s32 $0x80, s23;
	s22 =	sadd.s32 $0x80, s22;
	v5 =	vld [tilespmem:s21+$0x30]  }
0xc0: {  	p0 =	slt.u32 s23, $0x1F80;
	v6 =	vld [tilespmem:s22+$0x30]  }
0xc1: {  	v7 =	vld [tilespmem:s22+$0xFFFFFFC0]  }
0xc2: {  	v8 =	vld [tilespmem:s24+$0xFFFFFFD0]  }
0xc3: {  	v9 =	vld [tilespmem:s22+$0xFFFFFFD0]  }
0xc4: {  	v10 =	vld [tilespmem:s24+$0xFFFFFFE0]  }
0xc5: {  	v11 =	vld [tilespmem:s22+$0xFFFFFFE0];
	v4 =	vmul.f32 v6, v4  }
0xc6: {  	v6 =	vld [tilespmem:s24+$0xFFFFFFF0]  }
0xc7: {  	[tilespmem:v5+s12+$0x0] =	vst.idx.add.f32.msk $0xffff, v4  }
0xc8: {  	v4 =	vmul.f32 v9, v8;
	v5 =	vld [tilespmem:s22+$0xFFFFFFF0]  }
0xc9: {  	v8 =	vld [tilespmem:s24+$0x0]  }
0xca: {  	v9 =	vmul.f32 v11, v10;
	v10 =	vld [tilespmem:s22+$0x0]  }
0xcb: {  	v11 =	vld [tilespmem:s24+$0x10]  }
0xcc: {  	v12 =	vld [tilespmem:s22+$0x10]  }
0xcd: {  	v5 =	vmul.f32 v5, v6;
	v6 =	vld [tilespmem:s24+$0x20]  }
0xce: {  	v13 =	vld [tilespmem:s22+$0x20]  }
0xcf: {  	v14 =	vld [tilespmem:s24+$0xFFFFFFC0];
	v8 =	vmul.f32 v10, v8  }
0xd0: {  	v10 =	vld [tilespmem:s21+$0xFFFFFFC0]  }
0xd1: {  	v15 =	vld [tilespmem:s21+$0xFFFFFFD0];
	v11 =	vmul.f32 v12, v11  }
0xd2: {  	v12 =	vld [tilespmem:s21+$0xFFFFFFE0]  }
0xd3: {  	v16 =	vld [tilespmem:s21+$0xFFFFFFF0];
	v6 =	vmul.f32 v13, v6  }
0xd4: {  	v7 =	vmul.f32 v7, v14;
	v13 =	vld [tilespmem:s21+$0x0]  }
0xd5: {  	v14 =	vld [tilespmem:s21+$0x10]  }
0xd6: {  	v17 =	vld [tilespmem:s21+$0x20]  }
0xd7: {  	[tilespmem:v3+s12+$0x0] =	vst.idx.add.f32.msk $0xffff, v2;
	v2 =	vmov v6  }
0xd8: {  	[tilespmem:v10+s12+$0x0] =	vst.idx.add.f32.msk $0xffff, v7  }
.Ltmp4:
0xd9: {  	[tilespmem:v15+s12+$0x0] =	vst.idx.add.f32.msk $0xffff, v4;
	(pc) =	sbr.rel @p0 .LBB2_11-.Ltmp4, $4  }
0xda: {  	[tilespmem:v12+s12+$0x0] =	vst.idx.add.f32.msk $0xffff, v9  }
0xdb: {  	[tilespmem:v16+s12+$0x0] =	vst.idx.add.f32.msk $0xffff, v5;
	v3 =	vmov v17  }
0xdc: {  	[tilespmem:v13+s12+$0x0] =	vst.idx.add.f32.msk $0xffff, v8  }
0xdd: {  	s24 =	sadd.s32 $0x80, s24;
	[tilespmem:v14+s12+$0x0] =	vst.idx.add.f32.msk $0xffff, v11  }
0xde: {  	_ =	sdelay $0x3  }
0xdf: {  	[tilespmem:v3+s12+$0x0] =	vst.idx.add.f32.msk $0xffff, v2;
	s21 =	sadd.s32 s20, s8  }
0xe0: {  	[tilespmem:s13], [sflag:$0x1] =	stream.linear.gather [hbm4b:s21+s2], $0x2000, $0x38;
	[tilespmem:$0x1C000] =	vst v63  }
0xe1: {  	_ =	swait.ge [sflag:s16], $0x2000  }
0xe2: {  	[sflag:s16] =	ssyncset.done $0x0  }
0xe3: {  	s23 =	simm.s32 $0x1A040;
	[sflag:s16] =	ssyncadd.s32 $0xFFFFE000  }
0xe4: {  	s21 =	simm.s32 $0x2070;
	v2 =	vld [tilespmem:s23+$0x30]  }
0xe5: {  	s22 =	simm.s32 $0xA070;
	v3 =	vld [tilespmem:s21+$0x0]  }
0xe6: {  	v4 =	vld [tilespmem:s22+$0x0]  }
0xe7: {  	v5 =	vld [tilespmem:s22+$0xFFFFFF90]  }
0xe8: {  	v6 =	vld [tilespmem:s23+$0xFFFFFFD0]  }
0xe9: {  	v7 =	vld [tilespmem:s22+$0xFFFFFFA0]  }
0xea: {  	v8 =	vld [tilespmem:s23+$0xFFFFFFE0]  }
0xeb: {  	v9 =	vld [tilespmem:s22+$0xFFFFFFB0]  }
0xec: {  	v10 =	vld [tilespmem:s23+$0xFFFFFFC0]  }
0xed: {  	v11 =	vld [tilespmem:s23+$0x0]  }
0xee: {  	v12 =	vld [tilespmem:s22+$0xFFFFFFD0];
	v2 =	vmul.f32 v4, v2  }
0xef: {  	v13 =	vld [tilespmem:s21+$0xFFFFFFA0]  }
0xf0: {  	[tilespmem:v3+s12+$0x0] =	vst.idx.add.f32.msk $0xffff, v2  }
0xf1: {  	v3 =	vld [tilespmem:s21+$0xFFFFFF90]  }
0xf2: {  	v14 =	vld [tilespmem:s23+$0x10]  }
0xf3: {  	v15 =	vld [tilespmem:s22+$0xFFFFFFE0]  }
0xf4: {  	v58 =	vld [tilespmem:s21+$0xFFFFFFB0]  }
0xf5: {  	v59 =	vld [tilespmem:s21+$0xFFFFFFD0]  }
0xf6: {  	v60 =	vld [tilespmem:s21+$0xFFFFFFE0]  }
0xf7: {  	v4 =	vld [tilespmem:s23+$0xFFFFFFF0];
	v5 =	vmul.f32 v5, v10  }
0xf8: {  	v2 =	vld [tilespmem:s22+$0xFFFFFFC0]  }
0xf9: {  	[tilespmem:v3+s12+$0x0] =	vst.idx.add.f32.msk $0xffff, v5  }
0xfa: {  	v5 =	vld [tilespmem:s21+$0xFFFFFFC0]  }
0xfb: {  	v61 =	vld [tilespmem:s23+$0x20];
	v8 =	vmul.f32 v9, v8  }
0xfc: {  	v62 =	vld [tilespmem:s22+$0xFFFFFFF0];
	v63 =	vmul.f32 v15, v14  }
0xfd: {  	[tilespmem:v58+s12+$0x0] =	vst.idx.add.f32.msk $0xffff, v8;
	v2 =	vmul.f32 v2, v4;
	v4 =	vmul.f32 v12, v11  }
0xfe: {  	[tilespmem:v60+s12+$0x0] =	vst.idx.add.f32.msk $0xffff, v63;
	v3 =	vmul.f32 v7, v6  }
0xff: {  	[tilespmem:v59+s12+$0x0] =	vst.idx.add.f32.msk $0xffff, v4  }
0x100: {  	[tilespmem:v13+s12+$0x0] =	vst.idx.add.f32.msk $0xffff, v3  }
0x101: {  	v3 =	vld [tilespmem:s21+$0xFFFFFFF0]  }
0x102: {  	s24 =	simm.s32 $0x1A0C0;
	s23 =	simm.s32 $0x0;
	[tilespmem:v5+s12+$0x0] =	vst.idx.add.f32.msk $0xffff, v2;
	v2 =	vmul.f32 v62, v61  }
.LBB2_13:
0x103: {  	v4 =	vld [tilespmem:s24+$0x30];
	s21 =	sadd.s32 $0x80, s21  }
0x104: {  	s23 =	sadd.s32 $0x80, s23;
	s22 =	sadd.s32 $0x80, s22;
	v5 =	vld [tilespmem:s21+$0x0]  }
0x105: {  	p0 =	slt.u32 s23, $0x1F80;
	v6 =	vld [tilespmem:s22+$0x0]  }
0x106: {  	v7 =	vld [tilespmem:s22+$0xFFFFFF90]  }
0x107: {  	v8 =	vld [tilespmem:s24+$0xFFFFFFD0]  }
0x108: {  	v9 =	vld [tilespmem:s22+$0xFFFFFFA0]  }
0x109: {  	v10 =	vld [tilespmem:s24+$0xFFFFFFE0]  }
0x10a: {  	v11 =	vld [tilespmem:s22+$0xFFFFFFB0];
	v4 =	vmul.f32 v6, v4  }
0x10b: {  	v6 =	vld [tilespmem:s24+$0xFFFFFFF0]  }
0x10c: {  	[tilespmem:v5+s12+$0x0] =	vst.idx.add.f32.msk $0xffff, v4  }
0x10d: {  	v4 =	vmul.f32 v9, v8;
	v5 =	vld [tilespmem:s22+$0xFFFFFFC0]  }
0x10e: {  	v8 =	vld [tilespmem:s24+$0x0]  }
0x10f: {  	v9 =	vmul.f32 v11, v10;
	v10 =	vld [tilespmem:s22+$0xFFFFFFD0]  }
0x110: {  	v11 =	vld [tilespmem:s24+$0x10]  }
0x111: {  	v12 =	vld [tilespmem:s22+$0xFFFFFFE0]  }
0x112: {  	v5 =	vmul.f32 v5, v6;
	v6 =	vld [tilespmem:s24+$0x20]  }
0x113: {  	v13 =	vld [tilespmem:s22+$0xFFFFFFF0]  }
0x114: {  	v14 =	vld [tilespmem:s24+$0xFFFFFFC0];
	v8 =	vmul.f32 v10, v8  }
0x115: {  	v10 =	vld [tilespmem:s21+$0xFFFFFF90]  }
0x116: {  	v15 =	vld [tilespmem:s21+$0xFFFFFFA0];
	v11 =	vmul.f32 v12, v11  }
0x117: {  	v12 =	vld [tilespmem:s21+$0xFFFFFFB0]  }
0x118: {  	v16 =	vld [tilespmem:s21+$0xFFFFFFC0];
	v6 =	vmul.f32 v13, v6  }
0x119: {  	v7 =	vmul.f32 v7, v14;
	v13 =	vld [tilespmem:s21+$0xFFFFFFD0]  }
0x11a: {  	v14 =	vld [tilespmem:s21+$0xFFFFFFE0]  }
0x11b: {  	v17 =	vld [tilespmem:s21+$0xFFFFFFF0]  }
0x11c: {  	[tilespmem:v3+s12+$0x0] =	vst.idx.add.f32.msk $0xffff, v2;
	v2 =	vmov v6  }
0x11d: {  	[tilespmem:v10+s12+$0x0] =	vst.idx.add.f32.msk $0xffff, v7  }
.Ltmp5:
0x11e: {  	[tilespmem:v15+s12+$0x0] =	vst.idx.add.f32.msk $0xffff, v4;
	(pc) =	sbr.rel @p0 .LBB2_13-.Ltmp5, $4  }
0x11f: {  	[tilespmem:v12+s12+$0x0] =	vst.idx.add.f32.msk $0xffff, v9  }
0x120: {  	[tilespmem:v16+s12+$0x0] =	vst.idx.add.f32.msk $0xffff, v5;
	v3 =	vmov v17  }
0x121: {  	[tilespmem:v13+s12+$0x0] =	vst.idx.add.f32.msk $0xffff, v8  }
0x122: {  	s24 =	sadd.s32 $0x80, s24;
	[tilespmem:v14+s12+$0x0] =	vst.idx.add.f32.msk $0xffff, v11  }
0x123: {  	_ =	sdelay $0x3  }
0x124: {  	[tilespmem:v3+s12+$0x0] =	vst.idx.add.f32.msk $0xffff, v2;
	s21 =	sadd.s32 s20, s9;
	s22 =	simm.s32 $0x0  }
0x125: {  	[tilespmem:s14], [sflag:$0x2] =	stream.linear.gather [hbm4b:s21+s22], $0x2000, $0x38;
	[tilespmem:$0x1C000] =	vst v63  }
0x126: {  	_ =	swait.ge [sflag:s15], $0x2000  }
0x127: {  	[sflag:s15] =	ssyncset.done $0x0  }
0x128: {  	s31 =	simm.s32 $0x0;
	[sflag:s15] =	ssyncadd.s32 $0xFFFFE000  }
0x129: {  	v2 =	vld [tilespmem:s31+$0x18070]  }
0x12a: {  	v3 =	vld [tilespmem:s31+$0x4070]  }
0x12b: {  	v4 =	vld [tilespmem:s31+$0xC070]  }
0x12c: {  	v5 =	vld [tilespmem:s31+$0x18000]  }
0x12d: {  	v6 =	vld [tilespmem:s31+$0xC000]  }
0x12e: {  	v7 =	vld [tilespmem:s31+$0x18010]  }
0x12f: {  	v8 =	vld [tilespmem:s31+$0xC010]  }
0x130: {  	v9 =	vld [tilespmem:s31+$0x18020]  }
0x131: {  	v10 =	vld [tilespmem:s31+$0xC030]  }
0x132: {  	v11 =	vld [tilespmem:s31+$0x18040];
	v2 =	vmul.f32 v4, v2  }
0x133: {  	v12 =	vld [tilespmem:s31+$0xC040]  }
0x134: {  	[tilespmem:v3+s12+$0x0] =	vst.idx.add.f32.msk $0xffff, v2  }
0x135: {  	v3 =	vld [tilespmem:s31+$0x4000]  }
0x136: {  	v13 =	vld [tilespmem:s31+$0x4010]  }
0x137: {  	v14 =	vld [tilespmem:s31+$0x18050]  }
0x138: {  	v15 =	vld [tilespmem:s31+$0x4020]  }
0x139: {  	v16 =	vld [tilespmem:s31+$0x4030]  }
0x13a: {  	v61 =	vld [tilespmem:s31+$0x18060]  }
0x13b: {  	v4 =	vld [tilespmem:s31+$0xC020];
	v5 =	vmul.f32 v6, v5  }
0x13c: {  	v2 =	vld [tilespmem:s31+$0x18030]  }
0x13d: {  	[tilespmem:v3+s12+$0x0] =	vst.idx.add.f32.msk $0xffff, v5  }
0x13e: {  	v3 =	vmul.f32 v8, v7;
	v7 =	vld [tilespmem:s31+$0x4040]  }
0x13f: {  	v5 =	vld [tilespmem:s31+$0x4050]  }
0x140: {  	v6 =	vld [tilespmem:s31+$0xC050];
	v4 =	vmul.f32 v4, v9  }
0x141: {  	v62 =	vld [tilespmem:s31+$0xC060];
	v2 =	vmul.f32 v10, v2  }
0x142: {  	[tilespmem:v15+s12+$0x0] =	vst.idx.add.f32.msk $0xffff, v4  }
0x143: {  	[tilespmem:v16+s12+$0x0] =	vst.idx.add.f32.msk $0xffff, v2  }
0x144: {  	v63 =	vmul.f32 v12, v11;
	[tilespmem:v13+s12+$0x0] =	vst.idx.add.f32.msk $0xffff, v3  }
0x145: {  	v4 =	vmul.f32 v6, v14;
	v3 =	vld [tilespmem:s31+$0x4060]  }
0x146: {  	s21 =	simm.s32 $0x0;
	s22 =	simm.s32 $0x200;
	v2 =	vmul.f32 v62, v61;
	[tilespmem:v7+s12+$0x0] =	vst.idx.add.f32.msk $0xffff, v63  }
.LBB2_15:
0x147: {  	s23 =	sshra.s32 s22, $0x2;
	[tilespmem:v5+s12+$0x0] =	vst.idx.add.f32.msk $0xffff, v4  }
0x148: {  	s21 =	sadd.s32 $0x80, s21;
	v4 =	vld [tilespmem:s23+$0x18070]  }
0x149: {  	p0 =	slt.u32 s21, $0x1F80;
	v5 =	vld [tilespmem:s23+$0x4070]  }
0x14a: {  	v6 =	vld [tilespmem:s23+$0xC070]  }
0x14b: {  	v7 =	vld [tilespmem:s23+$0x18000]  }
0x14c: {  	v8 =	vld [tilespmem:s23+$0xC000]  }
0x14d: {  	v9 =	vld [tilespmem:s23+$0x18010]  }
0x14e: {  	v10 =	vld [tilespmem:s23+$0xC010]  }
0x14f: {  	v11 =	vld [tilespmem:s23+$0x18020];
	v4 =	vmul.f32 v6, v4  }
0x150: {  	v6 =	vld [tilespmem:s23+$0xC020]  }
0x151: {  	v7 =	vmul.f32 v8, v7;
	[tilespmem:v5+s12+$0x0] =	vst.idx.add.f32.msk $0xffff, v4  }
0x152: {  	v4 =	vld [tilespmem:s23+$0x18030]  }
0x153: {  	v8 =	vmul.f32 v10, v9;
	v5 =	vld [tilespmem:s23+$0xC030]  }
0x154: {  	v9 =	vld [tilespmem:s23+$0x18040]  }
0x155: {  	v6 =	vmul.f32 v6, v11;
	v10 =	vld [tilespmem:s23+$0xC040]  }
0x156: {  	v11 =	vld [tilespmem:s23+$0x18050]  }
0x157: {  	v12 =	vld [tilespmem:s23+$0xC050]  }
0x158: {  	v13 =	vmul.f32 v5, v4;
	v5 =	vld [tilespmem:s23+$0x18060]  }
0x159: {  	v14 =	vld [tilespmem:s23+$0xC060]  }
0x15a: {  	v15 =	vld [tilespmem:s23+$0x4000];
	v9 =	vmul.f32 v10, v9  }
0x15b: {  	v10 =	vld [tilespmem:s23+$0x4010]  }
0x15c: {  	v16 =	vld [tilespmem:s23+$0x4020];
	v4 =	vmul.f32 v12, v11  }
0x15d: {  	v11 =	vld [tilespmem:s23+$0x4030]  }
0x15e: {  	v12 =	vld [tilespmem:s23+$0x4040];
	v14 =	vmul.f32 v14, v5  }
0x15f: {  	v5 =	vld [tilespmem:s23+$0x4050]  }
0x160: {  	v17 =	vld [tilespmem:s23+$0x4060]  }
0x161: {  	[tilespmem:v3+s12+$0x0] =	vst.idx.add.f32.msk $0xffff, v2;
	v2 =	vmov v14  }
.Ltmp6:
0x162: {  	[tilespmem:v15+s12+$0x0] =	vst.idx.add.f32.msk $0xffff, v7;
	(pc) =	sbr.rel @p0 .LBB2_15-.Ltmp6, $4  }
0x163: {  	[tilespmem:v10+s12+$0x0] =	vst.idx.add.f32.msk $0xffff, v8  }
0x164: {  	[tilespmem:v16+s12+$0x0] =	vst.idx.add.f32.msk $0xffff, v6  }
0x165: {  	[tilespmem:v11+s12+$0x0] =	vst.idx.add.f32.msk $0xffff, v13;
	v3 =	vmov v17  }
0x166: {  	s22 =	sadd.s32 $0x200, s22;
	[tilespmem:v12+s12+$0x0] =	vst.idx.add.f32.msk $0xffff, v9  }
0x167: {  	_ =	sdelay $0x3  }
0x168: {  	[tilespmem:v5+s12+$0x0] =	vst.idx.add.f32.msk $0xffff, v4  }
0x169: {  	[tilespmem:v3+s12+$0x0] =	vst.idx.add.f32.msk $0xffff, v2  }
0x16a: {  	_ =	swait.ge [sflag:s16], $0x2000  }
0x16b: {  	[sflag:s16] =	ssyncset.done $0x0  }
0x16c: {  	s21 =	simm.s32 $0x0;
	[sflag:s16] =	ssyncadd.s32 $0xFFFFE000  }
0x16d: {  	v2 =	vld [tilespmem:s21+$0x1A070]  }
0x16e: {  	v3 =	vld [tilespmem:s21+$0x6070]  }
0x16f: {  	v4 =	vld [tilespmem:s21+$0xE070]  }
0x170: {  	v5 =	vld [tilespmem:s21+$0x1A000]  }
0x171: {  	v6 =	vld [tilespmem:s21+$0xE000]  }
0x172: {  	v7 =	vld [tilespmem:s21+$0x1A010]  }
0x173: {  	v8 =	vld [tilespmem:s21+$0xE010]  }
0x174: {  	v9 =	vld [tilespmem:s21+$0x1A020]  }
0x175: {  	v10 =	vld [tilespmem:s21+$0xE030]  }
0x176: {  	v11 =	vld [tilespmem:s21+$0x1A040];
	v2 =	vmul.f32 v4, v2  }
0x177: {  	v12 =	vld [tilespmem:s21+$0xE040]  }
0x178: {  	[tilespmem:v3+s12+$0x0] =	vst.idx.add.f32.msk $0xffff, v2  }
0x179: {  	v3 =	vld [tilespmem:s21+$0x6000]  }
0x17a: {  	v13 =	vld [tilespmem:s21+$0x6010]  }
0x17b: {  	v14 =	vld [tilespmem:s21+$0x1A050]  }
0x17c: {  	v15 =	vld [tilespmem:s21+$0x6020]  }
0x17d: {  	v16 =	vld [tilespmem:s21+$0x6030]  }
0x17e: {  	v61 =	vld [tilespmem:s21+$0x1A060]  }
0x17f: {  	v4 =	vld [tilespmem:s21+$0xE020];
	v5 =	vmul.f32 v6, v5  }
0x180: {  	v2 =	vld [tilespmem:s21+$0x1A030]  }
0x181: {  	[tilespmem:v3+s12+$0x0] =	vst.idx.add.f32.msk $0xffff, v5  }
0x182: {  	v3 =	vmul.f32 v8, v7;
	v7 =	vld [tilespmem:s21+$0x6040]  }
0x183: {  	v5 =	vld [tilespmem:s21+$0x6050]  }
0x184: {  	v6 =	vld [tilespmem:s21+$0xE050];
	v4 =	vmul.f32 v4, v9  }
0x185: {  	v62 =	vld [tilespmem:s21+$0xE060];
	v2 =	vmul.f32 v10, v2  }
0x186: {  	[tilespmem:v15+s12+$0x0] =	vst.idx.add.f32.msk $0xffff, v4  }
0x187: {  	[tilespmem:v16+s12+$0x0] =	vst.idx.add.f32.msk $0xffff, v2  }
0x188: {  	v63 =	vmul.f32 v12, v11;
	[tilespmem:v13+s12+$0x0] =	vst.idx.add.f32.msk $0xffff, v3  }
0x189: {  	v4 =	vmul.f32 v6, v14;
	v3 =	vld [tilespmem:s21+$0x6060]  }
0x18a: {  	s22 =	simm.s32 $0x200;
	v2 =	vmul.f32 v62, v61;
	s21 =	simm.s32 $0x0;
	[tilespmem:v7+s12+$0x0] =	vst.idx.add.f32.msk $0xffff, v63  }
.LBB2_17:
0x18b: {  	s23 =	sshra.s32 s22, $0x2;
	[tilespmem:v5+s12+$0x0] =	vst.idx.add.f32.msk $0xffff, v4  }
0x18c: {  	s21 =	sadd.s32 $0x80, s21;
	v4 =	vld [tilespmem:s23+$0x1A070]  }
0x18d: {  	p0 =	slt.u32 s21, $0x1F80;
	v5 =	vld [tilespmem:s23+$0x6070]  }
0x18e: {  	v6 =	vld [tilespmem:s23+$0xE070]  }
0x18f: {  	v7 =	vld [tilespmem:s23+$0x1A000]  }
0x190: {  	v8 =	vld [tilespmem:s23+$0xE000]  }
0x191: {  	v9 =	vld [tilespmem:s23+$0x1A010]  }
0x192: {  	v10 =	vld [tilespmem:s23+$0xE010]  }
0x193: {  	v11 =	vld [tilespmem:s23+$0x1A020];
	v4 =	vmul.f32 v6, v4  }
0x194: {  	v6 =	vld [tilespmem:s23+$0xE020]  }
0x195: {  	v7 =	vmul.f32 v8, v7;
	[tilespmem:v5+s12+$0x0] =	vst.idx.add.f32.msk $0xffff, v4  }
0x196: {  	v4 =	vld [tilespmem:s23+$0x1A030]  }
0x197: {  	v8 =	vmul.f32 v10, v9;
	v5 =	vld [tilespmem:s23+$0xE030]  }
0x198: {  	v9 =	vld [tilespmem:s23+$0x1A040]  }
0x199: {  	v6 =	vmul.f32 v6, v11;
	v10 =	vld [tilespmem:s23+$0xE040]  }
0x19a: {  	v11 =	vld [tilespmem:s23+$0x1A050]  }
0x19b: {  	v12 =	vld [tilespmem:s23+$0xE050]  }
0x19c: {  	v13 =	vmul.f32 v5, v4;
	v5 =	vld [tilespmem:s23+$0x1A060]  }
0x19d: {  	v14 =	vld [tilespmem:s23+$0xE060]  }
0x19e: {  	v15 =	vld [tilespmem:s23+$0x6000];
	v9 =	vmul.f32 v10, v9  }
0x19f: {  	v10 =	vld [tilespmem:s23+$0x6010]  }
0x1a0: {  	v16 =	vld [tilespmem:s23+$0x6020];
	v4 =	vmul.f32 v12, v11  }
0x1a1: {  	v11 =	vld [tilespmem:s23+$0x6030]  }
0x1a2: {  	v12 =	vld [tilespmem:s23+$0x6040];
	v14 =	vmul.f32 v14, v5  }
0x1a3: {  	v5 =	vld [tilespmem:s23+$0x6050]  }
0x1a4: {  	v17 =	vld [tilespmem:s23+$0x6060]  }
0x1a5: {  	[tilespmem:v3+s12+$0x0] =	vst.idx.add.f32.msk $0xffff, v2;
	v2 =	vmov v14  }
.Ltmp7:
0x1a6: {  	[tilespmem:v15+s12+$0x0] =	vst.idx.add.f32.msk $0xffff, v7;
	(pc) =	sbr.rel @p0 .LBB2_17-.Ltmp7, $4  }
0x1a7: {  	[tilespmem:v10+s12+$0x0] =	vst.idx.add.f32.msk $0xffff, v8  }
0x1a8: {  	[tilespmem:v16+s12+$0x0] =	vst.idx.add.f32.msk $0xffff, v6  }
0x1a9: {  	[tilespmem:v11+s12+$0x0] =	vst.idx.add.f32.msk $0xffff, v13;
	v3 =	vmov v17  }
0x1aa: {  	s22 =	sadd.s32 $0x200, s22;
	[tilespmem:v12+s12+$0x0] =	vst.idx.add.f32.msk $0xffff, v9  }
0x1ab: {  	s19 =	sadd.s32 $0x1, s19  }
0x1ac: {  	p0 =	sne.s32 s19, $0x20  }
.Ltmp8:
0x1ad: {  	_ = 	snop;
	(pc) =	sbr.rel @p0 .LBB2_8-.Ltmp8, $4  }
0x1ae: {  	_ = 	snop  }
0x1af: {  	[tilespmem:v5+s12+$0x0] =	vst.idx.add.f32.msk $0xffff, v4  }
0x1b0: {  	[tilespmem:v3+s12+$0x0] =	vst.idx.add.f32.msk $0xffff, v2;
	s20 =	sadd.s32 s4, s20  }
0x1b1: {  	[hbm4b:s20+s2] =	stream.linear.scatter [tilespmem:s12], [sflag:$0x3], $0x8000, $0x38;
	[tilespmem:$0x1C000] =	vst v63  }
0x1b2: {  	s18 =	sadd.s32 $0x1, s18  }
0x1b3: {  	p0 =	sne.s32 s18, s10  }
.Ltmp9:
0x1b4: {  	_ = 	snop;
	(pc) =	sbr.rel @p0 .LBB2_1-.Ltmp9, $4  }
0x1b5: {  	_ = 	snop  }
0x1b6: {  	_ =	swait.ge [sflag:s17], $0x8000  }
0x1b7: {  	[sflag:s17] =	ssyncset.done $0x0  }
0x1b8: {  	[sflag:s17] =	ssyncadd.s32 $0xFFFF8000  }
0x1b9: {  	_ =	sfence.sel $0x180000  }
0x1ba: {  	[bflag:$0x0] =	sbarrier.arrive $0xFFFF  }
0x1bb: {  	p0 =	sne.s32 s3, $0x0;
	_ =	strace $0x90000047  }
0x1bc: {  	s0 =	sadd.s32 @!p0 $0x100000, s0;
	[bflag:$0x2] =	sbarrier.arrive $0xFFFF  }
0x1bd: {  	[sflag:s0] =	ssyncadd.tile.s32 @!p0 $0x1;
	_ =	shalt  }
.Lfunc_end2:
_tile_overlayer_lowered:
.L_overlay_start_2:
0x1be: {  	(tag) =	ssettag $0x2  }
0x1bf: {  	s0 =	rddreg [dreg:$0x0];
	s2 =	stileid.u32  }
0x1c0: {  	s1 =	rddreg [dreg:$0x1];
	p0 =	sne.s32 s2, $0x0  }
0x1c1: {  	s3 =	rddreg [dreg:$0x2];
	[bflag:$0x3] =	sbarrier.arrive $0xFFFF;
	s2 =	simm.s32 @!p0 $0x1C04  }
0x1c2: {  	[timem:s3], [sflag:s2] =	dma.local @!p0 [hbm:s0], s1  }
0x1c3: {  	s0 =	simm.s32 @!p0 $0x4  }
0x1c4: {  	_ =	swait.ge @!p0 [sflag:s0], s1  }
0x1c5: {  	s1 =	ssub.s32 @!p0 $0x0, s1;
	[sflag:s0] =	ssyncset.done @!p0 $0x0  }
0x1c6: {  	[sflag:s0] =	ssyncadd.s32 @!p0 s1  }
0x1c7: {  	[bflag:$0x3] =	sbarrier.arrive $0xFFFF  }
0x1c8: {  	_ =	shalt  }

// kernel: sparse-core-data-format-call.cloned.1.call-start
scs
called_computation_lowered:
.L_overlay_start_0:
0x0: {  	s2 =	sld [smem:$0x3FD9]  }
0x1: {  	s3 =	sld [smem:$0x3FFE];
	_ =	sdelay $0x1  }
0x2: {  	s1 =	srdreg.scid  }
0x3: {  	s0 =	sand.u32 $0x1, s1  }
0x4: {  	s15 =	sshll.u32 s0, $0xA;
	s2 =	sadd.s32 s3, s2  }
0x5: {  	s2 =	sadd.s32 s2, s15  }
0x6: {  	[smem:$0x3FC6] =	sst s2  }
0x7: {  	_ = 	snop  }
0x8: {  	s2 =	sld [smem:$0x3FD0];
	_ =	sdelay $0x2  }
0x9: {  	s16 =	simm.s32 $0xA;
	s4 =	simm.s32 $0x10  }
0xa: {  	[smem:s4], [sflag:s16] =	dma.local [hbm:s2], $0x1  }
0xb: {  	_ =	swait.eq [sflag:s16], $0x1  }
0xc: {  	[sflag:s16] =	ssyncset.done $0x0  }
0xd: {  	[sflag:s16] =	ssyncadd.s32 $0xFFFFFFFF  }
0xe: {  	s17 =	sld [smem:$0x10];
	(tm) =	ssettm $0x1  }
0xf: {  	s18 =	sld [smem:$0x3FFB];
	_ =	sdelay $0x3  }
0x10: {  	_ =	strace s18  }
0x11: {  	s3 =	sld [smem:$0x3FFC];
	_ =	sdelay $0x3  }
0x12: {  	_ =	strace s3  }
0x13: {  	s3 =	sld [smem:$0x3FFD];
	_ =	sdelay $0x3  }
0x14: {  	_ =	strace s3  }
0x15: {  	_ =	strace $0x8FFFFFFF  }
0x16: {  	s19 =	sld [smem:$0x3FDB];
	_ =	sdelay $0x1  }
0x17: {  	s20 =	simm.s32 $_scs_section_size  }
0x18: {  	s5 =	simm.s32 $_size__tile_overlayer_lowered;
	s6 =	simm.s32 $_tile_overlayer_lowered  }
0x19: {  	s23 =	simm.s32 $0x1BFF;
	s22 =	sshll.u32 s6, $0x1;
	s3 =	sadd.s32 s20, s19  }
0x1a: {  	s7 =	simm.s32 $0x0;
	s21 =	sshll.u32 s5, $0x1;
	s5 =	sadd.s32 s22, s3  }
0x1b: {  	[timem:s7], [sflag:s23] =	dma.local [hbm:s5], s21  }
0x1c: {  	_ =	swait.ge [sflag:s23], s21  }
0x1d: {  	s4 =	ssub.s32 $0x0, s21;
	[sflag:s23] =	ssyncset.done $0x0  }
0x1e: {  	[sflag:s23] =	ssyncadd.s32 s4;
	_ =	sdelay $0x1  }
0x1f: {  	s24 =	simm.s32 $0x1B8B  }
0x20: {  	_ =	swait.ge [sflag:s24], $0x1  }
0x21: {  	[sflag:s24] =	ssyncset.done $0x0  }
0x22: {  	s26 =	simm.s32 $0x1B8E;
	s25 =	sld [smem:$0x3FFE];
	[sflag:s24] =	ssyncadd.s32 $0xFFFFFFFF  }
0x23: {  	s27 =	simm.s32 $execute0_lowered;
	[smem:$0x3FD2] =	sst s26  }
0x24: {  	s5 =	sshll.u32 s27, $0x1;
	_ =	strace $0x80000049;
	[dreg:$0x1] =	wrdreg $0xFFFFFFFF  }
0x25: {  	s28 =	simm.s32 $_size_execute0_lowered;
	s3 =	sadd.s32 s3, s5;
	[dreg:$0x0] =	wrdreg $0x0  }
0x26: {  	s5 =	sshll.u32 s28, $0x1;
	[dreg:$0x2] =	wrdreg s3  }
0x27: {  	[dreg:$0x3] =	wrdreg s5  }
0x28: {  	[dreg:$0x4] =	wrdreg $0xC0  }
0x29: {  	_ =	task [dreg:s7], $0x5FFFF  }
0x2a: {  	[dreg:$0x1] =	wrdreg $0xFFFFFFFF  }
0x2b: {  	[dreg:$0x0] =	wrdreg $0x60  }
0x2c: {  	[dreg:$0x2] =	wrdreg s25  }
0x2d: {  	[dreg:$0x3] =	wrdreg s17  }
0x2e: {  	[dreg:$0x4] =	wrdreg $0x9  }
0x2f: {  	_ =	task.clear_ibuf [dreg:s7], $0x5FFFF;
	_ =	strace $0x90000049  }
0x30: {  	s29 =	simm.s32 $0x9;
	_ =	strace $0x8000004B  }
0x31: {  	_ =	swait.ge [sflag:s29], $0x1  }
0x32: {  	[sflag:s29] =	ssyncadd.s32 $0xFFFFFFFF  }
0x33: {  	_ =	strace $0x9000004B  }
0x34: {  	_ =	sfence  }
0x35: {  	s30 =	sld [smem:$0x0];
	_ =	sdelay $0x2  }
0x36: {  	s31 =	sshll.u32 s1, $0xD;
	s1 =	sshrl.u32 s1, $0x2  }
0x37: {  	s3 =	sand.u32 $0x4000, s31;
	s1 =	sadd.s32 s1, s30  }
0x38: {  	s0 =	sor.u32 s3, s0;
	s1 =	sshll.u32 s1, $0x11  }
0x39: {  	s0 =	sor.u32 s1, s0  }
0x3a: {  	s0 =	sadd.s32 $0x8F2B, s0  }
0x3b: {  	[sflag:s0] =	ssyncadd.remote.s32 $0x1  }
0x3c: {  	_ =	sfence.sel $0xFFFF  }
0x3d: {  	[dreg:$0x0] =	wrdreg $0xFFFFFFFF;
	(pc) =	sbr.abs _section_cstart, $3  }
0x3e: {  	[dreg:$0x1] =	wrdreg $0xFFFFFFFF  }
0x3f: {  	_ =	task.clear_ibuf [dreg:s7], $0x2FFFF;
	_ =	strace $0x9FFFFFFF  }
0x40: {  	(tm) =	ssettm $0x7FFFFFFF  }
0x41: {  	_ =	shalt  }
tec
execute0_lowered:
.L_overlay_start_1:
0x0: {  	(tag) =	ssettag $0x1  }
0x1: {  	s0 =	rddreg [dreg:$0x0]  }
0x2: {  	s2 =	rddreg [dreg:$0x1];
	s6 =	stileid.u32  }
0x3: {  	_ =	strace $0x8000004A;
	s1 =	srdreg.scid;
	s5 =	simm.s32 $0x1  }
0x4: {  	s7 =	simm.s32 $0x2;
	s22 =	simm.s32 $0x0;
	p0 =	por $0x0, $0x0  }
0x5: {  	s16 =	simm.s32 $0x80;
	s25 =	simm.s32 $0x0;
	s24 =	simm.s32 $0x0  }
0x6: {  	s26 =	simm.s32 $0x0;
	s17 =	simm.s32 $0x0;
	s19 =	simm.s32 $0x0  }
0x7: {  	s21 =	simm.s32 $0x0;
	s4 =	sshll.u32 s6, $0x3;
	s3 =	sadd.s32 $0x441000, s0  }
0x8: {  	s28 =	sshll.u32 s1, $0x4;
	[sflag:s5] =	ssyncpa.u1 $0x0;
	s9 =	sadd.s32 $0x100000, s2  }
0x9: {  	s10 =	sadd.s32 $0x180000, s2;
	s11 =	sadd.s32 $0x200000, s2;
	s4 =	sand.u32 $0x8, s4  }
0xa: {  	s12 =	sadd.s32 $0x280000, s2;
	s13 =	sadd.s32 $0x300000, s2;
	s29 =	ssub.s32 $0x10, s4  }
.Ltmp0:
0xb: {  	s14 =	sadd.s32 $0x380000, s2;
	s30 =	sshrl.u32 s29, $0x3;
	(pc) =	sbr.rel .LBB1_1-.Ltmp0, $4  }
0xc: {  	s0 =	sand.u32 $0x10, s28;
	s1 =	sshrl.u32 s29, $0x4;
	s8 =	sand.u32 $0x1, s30  }
0xd: {  	[sflag:s7] =	ssyncpa.u1 $0x0;
	s0 =	sor.u32 s6, s0;
	s31 =	sadd.s32 s1, s8  }
0xe: {  	s20 =	smov.u32 s4;
	s6 =	sshrl.u32 s0, $0x1;
	s7 =	sshll.u32 s31, $0x6  }
0xf: {  	s18 =	smov.u32 s6;
	s8 =	sadd.s32 $0x80000, s2;
	s15 =	sor.u32 $0x1, s7  }
.LBB1_7:
0x10: {  	s0 =	sadd.s32 $0x1, s17  }
0x11: {  	s1 =	sadd.s32 $0x10, s18;
	s23 =	smov.u32 s18;
	p2 =	sgt.s32 s0, $0x1F  }
0x12: {  	s23 =	smov.u32 @p2 s1  }
0x13: {  	s27 =	smov.u32 s19;
	s1 =	sadd.s32 $0x40, s19;
	p3 =	sgt.s32 s23, $0x1F  }
0x14: {  	s27 =	smov.u32 @p3 s1  }
0x15: {  	s28 =	smov.u32 s20;
	s1 =	sadd.s32 $0x10, s20;
	p4 =	sgt.s32 s27, $0x3F  }
0x16: {  	p1 =	slt.u32 s21, $0x2;
	s28 =	smov.u32 @p4 s1  }
0x17: {  	s22 =	smov.u32 s17;
	s0 =	simm.s32 @p2 $0x0;
	p2 =	sgt.s32 s28, $0xF  }
0x18: {  	s25 =	smov.u32 s18;
	s28 =	smov.u32 @p2 s4;
	p2 =	sne.s32 s21, s15  }
.Ltmp1:
0x19: {  	s24 =	smov.u32 s19;
	s26 =	smov.u32 s20;
	(pc) =	sbr.rel @!p2 .LBB1_8-.Ltmp1, $4  }
0x1a: {  	p0 =	por !p0, !p0;
	s17 =	smov.u32 s0;
	s1 =	simm.s32 @!p1 $0x2  }
0x1b: {  	s23 =	smov.u32 @p3 s6;
	s27 =	simm.s32 @p4 $0x0;
	_ =	swait.ge @!p1 [sflag:s1], $0x4000  }
0x1c: {  	s18 =	smov.u32 s23;
	s19 =	smov.u32 s27;
	[sflag:s1] =	ssyncset.done @!p1 $0x0  }
0x1d: {  	s21 =	sadd.s32 $0x1, s21;
	[sflag:s1] =	ssyncadd.s32 @!p1 $0xFFFFC000;
	s20 =	smov.u32 s28  }
.LBB1_1:
0x1e: {  	p1 =	sge.u32 s21, s7  }
0x1f: {  	s31 =	sadd.s32 $0xFFFFFFFF, s21;
	s0 =	sxor.u32 @!p1 $0xFFFFFFFF, s21;
	s1 =	sshll.u32 @!p1 s20, $0x14  }
0x20: {  	s23 =	sshll.u32 @!p1 s19, $0xE;
	s27 =	sshll.u32 @!p1 s18, $0x9;
	s1 =	sadd.s32 @!p1 s3, s1  }
0x21: {  	s28 =	sshll.u32 @!p1 s17, $0x4;
	s0 =	sshll.u32 @!p1 s0, $0xE;
	s1 =	sadd.s32 @!p1 s23, s1  }
0x22: {  	s0 =	sand.u32 @!p1 $0x4000, s0;
	s23 =	sand.u32 @!p1 $0x1F0, s28;
	s1 =	sadd.s32 @!p1 s27, s1  }
0x23: {  	s27 =	simm.s32 @!p1 $0x20000;
	s1 =	sadd.s32 @!p1 s23, s1;
	s23 =	simm.s32 @!p1 $0x20  }
0x24: {  	[tilespmem:s0], [sflag:$0x1] =	stream.strided.gather @!p1 [hbm4b:s1+s23], $0x4000, s27, s23, $0x38;
	[tilespmem:$0x10200] =	vst v63  }
0x25: {  	p1 =	sge.u32 s31, s7  }
.Ltmp2:
0x26: {  	_ = 	snop;
	(pc) =	sbr.rel @p1 .LBB1_7-.Ltmp2, $1  }
0x27: {  	_ =	sdelay $0x3  }
0x28: {  	s0 =	simm.s32 $0x1;
	s23 =	sand.u32 $0x1, s21  }
0x29: {  	s0 =	simm.s32 @!p0 $0x0;
	s23 =	smul.u32 $0x10400, s23  }
0x2a: {  	_ =	swait.ge [sflag:s5], $0x4000;
	s1 =	smul.u32 $0x10400, s0  }
0x2b: {  	s30 =	simm.s32 $0x0;
	[sflag:s5] =	ssyncset.done $0x0;
	s0 =	sshll.u32 s0, $0xE  }
0x2c: {  	[sflag:s5] =	ssyncadd.s32 $0xFFFFC000;
	s23 =	sshrl.u32 s23, $0x2;
	s1 =	sshrl.u32 s1, $0x2  }
0x2d: {  	s29 =	sor.u32 $0x10, s0;
	s27 =	sor.u32 $0x8000, s23;
	s28 =	sor.u32 $0x8000, s1  }
.LBB1_3:
0x2e: {  	v1 =	vld [tilespmem:s29+$0x0]  }
0x2f: {  	v0 =	vld [tilespmem:s29+$0xFFFFFFF0];
	_ =	sdelay $0x2  }
0x30: {  	s1 =	sadd.s32 $0x0, s28  }
0x31: {  	s31 =	simm.s32 $0x4;
	s0 =	sadd.s32 $0x20, s29;
	[tilespmem:s1+$0x410 ss:$0x41] =	vst.msk $0xffff, v1  }
.LBB1_4:
0x32: {  	v1 =	vld [tilespmem:s0+$0x0];
	p1 =	sne.s32 s31, $0xFC;
	[tilespmem:s1+$0x0 ss:$0x41] =	vst.msk $0xffff, v0;
	s1 =	smov.u32 s31;
	s31 =	sadd.s32 $0x4, s31  }
.Ltmp3:
0x33: {  	v0 =	vld [tilespmem:s0+$0xFFFFFFF0];
	(pc) =	sbr.rel @p1 .LBB1_4-.Ltmp3, $4  }
0x34: {  	_ = 	snop  }
0x35: {  	s1 =	sshra.s32 s1, $0x2  }
0x36: {  	s1 =	sadd.s32 s1, s28  }
0x37: {  	s0 =	sadd.s32 $0x20, s0;
	[tilespmem:s1+$0x410 ss:$0x41] =	vst.msk $0xffff, v1  }
0x38: {  	s30 =	sadd.s32 $0x1, s30  }
0x39: {  	p1 =	sne.s32 s30, $0x8  }
.Ltmp4:
0x3a: {  	_ = 	snop;
	(pc) =	sbr.rel @p1 .LBB1_3-.Ltmp4, $2  }
0x3b: {  	_ =	sdelay $0x2  }
0x3c: {  	[tilespmem:s1+$0x0 ss:$0x41] =	vst.msk $0xffff, v0;
	s28 =	sadd.s32 $0x820, s28;
	s29 =	sadd.s32 $0x800, s29  }
0x3d: {  	s0 =	sshll.u32 s26, $0x13;
	s1 =	sshll.u32 s25, $0xE  }
0x3e: {  	s25 =	sadd.s32 s0, s1  }
0x3f: {  	s26 =	sand.u32 $0x180, s24;
	s28 =	sshrl.u32 s24, $0x3;
	s25 =	sadd.s32 s2, s25  }
0x40: {  	s29 =	sand.u32 $0x7, s24;
	s28 =	sand.u32 $0xF, s28;
	s25 =	sadd.s32 s26, s25  }
0x41: {  	s22 =	sshll.u32 s22, $0x9;
	s24 =	sshll.u32 s29, $0x12;
	s25 =	sadd.s32 s28, s25  }
0x42: {  	s30 =	sadd.s32 s0, s8;
	s24 =	sor.u32 $0x40, s24;
	s25 =	sadd.s32 s22, s25  }
0x43: {  	[hbm4b:s25+s24] =	stream.strided.scatter [tilespmem:s27], [sflag:$0x2], $0x800, s16, s24, $0x18;
	[tilespmem:$0x10200] =	vst v63  }
0x44: {  	s25 =	sadd.s32 s26, s30  }
0x45: {  	s25 =	sadd.s32 s1, s25  }
0x46: {  	s25 =	sadd.s32 s28, s25  }
0x47: {  	s31 =	sadd.s32 $0x8820, s23;
	s27 =	sadd.s32 s0, s9;
	s25 =	sadd.s32 s22, s25  }
0x48: {  	[hbm4b:s25+s24] =	stream.strided.scatter [tilespmem:s31], [sflag:$0x2], $0x800, s16, s24, $0x18;
	[tilespmem:$0x10200] =	vst v63  }
0x49: {  	s25 =	sadd.s32 s26, s27  }
0x4a: {  	s25 =	sadd.s32 s1, s25  }
0x4b: {  	s25 =	sadd.s32 s28, s25  }
0x4c: {  	s29 =	sadd.s32 $0x9040, s23;
	s30 =	sadd.s32 s0, s10;
	s25 =	sadd.s32 s22, s25  }
0x4d: {  	[hbm4b:s25+s24] =	stream.strided.scatter [tilespmem:s29], [sflag:$0x2], $0x800, s16, s24, $0x18;
	[tilespmem:$0x10200] =	vst v63  }
0x4e: {  	s25 =	sadd.s32 s26, s30  }
0x4f: {  	s25 =	sadd.s32 s1, s25  }
0x50: {  	s25 =	sadd.s32 s28, s25  }
0x51: {  	s31 =	sadd.s32 $0x9860, s23;
	s27 =	sadd.s32 s0, s11;
	s25 =	sadd.s32 s22, s25  }
0x52: {  	[hbm4b:s25+s24] =	stream.strided.scatter [tilespmem:s31], [sflag:$0x2], $0x800, s16, s24, $0x18;
	[tilespmem:$0x10200] =	vst v63  }
0x53: {  	s25 =	sadd.s32 s26, s27  }
0x54: {  	s25 =	sadd.s32 s1, s25  }
0x55: {  	s25 =	sadd.s32 s28, s25  }
0x56: {  	s29 =	sadd.s32 $0xA080, s23;
	s30 =	sadd.s32 s0, s12;
	s25 =	sadd.s32 s22, s25  }
0x57: {  	[hbm4b:s25+s24] =	stream.strided.scatter [tilespmem:s29], [sflag:$0x2], $0x800, s16, s24, $0x18;
	[tilespmem:$0x10200] =	vst v63  }
0x58: {  	s25 =	sadd.s32 s26, s30  }
0x59: {  	s25 =	sadd.s32 s1, s25  }
0x5a: {  	s25 =	sadd.s32 s28, s25  }
0x5b: {  	s31 =	sadd.s32 $0xA8A0, s23;
	s29 =	sadd.s32 s0, s13;
	s25 =	sadd.s32 s22, s25  }
0x5c: {  	[hbm4b:s25+s24] =	stream.strided.scatter [tilespmem:s31], [sflag:$0x2], $0x800, s16, s24, $0x18;
	[tilespmem:$0x10200] =	vst v63  }
0x5d: {  	s0 =	sadd.s32 s0, s14;
	s25 =	sadd.s32 s26, s29  }
0x5e: {  	s0 =	sadd.s32 s26, s0;
	s25 =	sadd.s32 s1, s25  }
.Ltmp5:
0x5f: {  	s0 =	sadd.s32 s1, s0;
	s25 =	sadd.s32 s28, s25;
	(pc) =	sbr.rel .LBB1_7-.Ltmp5, $4  }
0x60: {  	s30 =	sadd.s32 $0xB0C0, s23;
	s0 =	sadd.s32 s28, s0;
	s25 =	sadd.s32 s22, s25  }
0x61: {  	[hbm4b:s25+s24] =	stream.strided.scatter [tilespmem:s30], [sflag:$0x2], $0x800, s16, s24, $0x18;
	[tilespmem:$0x10200] =	vst v63  }
0x62: {  	s31 =	sadd.s32 $0xB8E0, s23;
	s0 =	sadd.s32 s22, s0  }
0x63: {  	[hbm4b:s0+s24] =	stream.strided.scatter [tilespmem:s31], [sflag:$0x2], $0x800, s16, s24, $0x18;
	[tilespmem:$0x10200] =	vst v63  }
.LBB1_8:
0x64: {  	_ =	sfence.sel $0x180000  }
0x65: {  	s0 =	simm.s32 $0x1;
	[bflag:$0x0] =	sbarrier.arrive $0xFFFF  }
0x66: {  	s30 =	simm.s32 $0x2;
	[sflag:s0] =	ssyncpa.u1 $0x1  }
0x67: {  	[sflag:s30] =	ssyncpa.u1 $0x1  }
0x68: {  	_ =	strace $0x9000004A  }
0x69: {  	s31 =	stileid.u32;
	[bflag:$0x2] =	sbarrier.arrive $0xFFFF  }
0x6a: {  	p0 =	sne.s32 s31, $0x0;
	s0 =	rddreg [dreg:$0x2]  }
0x6b: {  	s0 =	sadd.s32 @!p0 $0x100000, s0  }
0x6c: {  	[sflag:s0] =	ssyncadd.tile.s32 @!p0 $0x1;
	_ =	shalt  }
.Lfunc_end1:
_tile_overlayer_lowered:
.L_overlay_start_2:
0x6d: {  	(tag) =	ssettag $0x2  }
0x6e: {  	s0 =	rddreg [dreg:$0x0];
	s2 =	stileid.u32  }
0x6f: {  	s1 =	rddreg [dreg:$0x1];
	p0 =	sne.s32 s2, $0x0  }
0x70: {  	s3 =	rddreg [dreg:$0x2];
	[bflag:$0x3] =	sbarrier.arrive $0xFFFF;
	s2 =	simm.s32 @!p0 $0x1C01  }
0x71: {  	[timem:s3], [sflag:s2] =	dma.local @!p0 [hbm:s0], s1  }
0x72: {  	s0 =	simm.s32 @!p0 $0x1  }
0x73: {  	_ =	swait.ge @!p0 [sflag:s0], s1  }
0x74: {  	s1 =	ssub.s32 @!p0 $0x0, s1;
	[sflag:s0] =	ssyncset.done @!p0 $0x0  }
0x75: {  	[sflag:s0] =	ssyncadd.s32 @!p0 s1  }
0x76: {  	[bflag:$0x3] =	sbarrier.arrive $0xFFFF  }
0x77: {  	_ =	shalt  }

</sc_bundles>
